<compile_context>
chip_gen: v7x
topology: tpu7x:2x2x1
jax: 0.10.2.dev20260603
libtpu: 0.0.44.dev20260713+nightly
codegen_flags: <defaults>
</compile_context>

<pallas_src>
import functools

import jax
import jax.numpy as jnp
from jax import lax
from jax.experimental import pallas as pl
from jax.experimental.pallas import tpu as pltpu
from jax.experimental.pallas import tpu_sc as plsc

_N = 10000
_H = 128
_E = 320000
_NC = 2
_NS = 16
_NW = _NC * _NS
_EPT = _E // _NW
_BLK = 80
_NBLK = _EPT // _BLK
_PH = 64
_NP = 10240
_RPT = _NP // _NS

_mesh = plsc.VectorSubcoreMesh(core_axis_name="c", subcore_axis_name="s")


@functools.partial(
    pl.kernel,
    out_type=(jax.ShapeDtypeStruct((_NC, _NP, _H), jnp.float32),
              jax.ShapeDtypeStruct((_NC, _NP), jnp.float32)),
    mesh=_mesh,
    scratch_types=[
        pltpu.VMEM((2 * _PH, _BLK), jnp.int32),
        pltpu.VMEM((_BLK, _H), jnp.float32),
        pltpu.VMEM((_BLK, _H), jnp.float32),
        pltpu.VMEM((_BLK,), jnp.float32),
        pltpu.VMEM((_BLK,), jnp.float32),
        pltpu.VMEM_SHARED((_NP, _H), jnp.float32),
        pltpu.VMEM_SHARED((_NP,), jnp.float32),
        pltpu.SemaphoreType.DMA,
        pltpu.SemaphoreType.DMA,
        pltpu.SemaphoreType.DMA,
        pltpu.SemaphoreType.DMA,
    ],
)
def _sc_scatter(x_hbm, att_hbm, src_hbm, dst_hbm, z_hbm, z1_hbm,
                ph_hbm, pa_hbm,
                eidx, rows0, rows1, av0, av1, hacc, aacc,
                semr0, semr1, sema0, sema1):
    c = lax.axis_index("c")
    s = lax.axis_index("s")
    wid = s * _NC + c

    pltpu.sync_copy(z_hbm.at[pl.ds(s * _RPT, _RPT)],
                    hacc.at[pl.ds(s * _RPT, _RPT)])

    @pl.when(s == 0)
    def _():
        pltpu.sync_copy(z1_hbm, aacc)

    plsc.subcore_barrier()

    def start_gather(i, rbuf, abuf, semr, sema):
        pltpu.async_copy(x_hbm.at[eidx.at[i]], rbuf, semr)
        pltpu.async_copy(att_hbm.at[eidx.at[i]], abuf, sema)

    def wait_gather(rbuf, abuf, semr, sema):
        pltpu.make_async_copy(x_hbm.at[eidx.at[0]], rbuf, semr).wait()
        pltpu.make_async_copy(att_hbm.at[eidx.at[0]], abuf, sema).wait()

    def scatter_block(i, rbuf, abuf, sema):
        t = pltpu.async_copy(abuf, aacc.at[eidx.at[_PH + i]], sema, add=True)
        pltpu.sync_copy(rbuf, hacc.at[eidx.at[_PH + i]], add=True)
        t.wait()

    for p, n in ((0, _PH), (1, _NBLK - _PH)):
        pltpu.sync_copy(src_hbm.at[wid, pl.ds(p * _PH, n)],
                        eidx.at[pl.ds(0, n)])
        pltpu.sync_copy(dst_hbm.at[wid, pl.ds(p * _PH, n)],
                        eidx.at[pl.ds(_PH, n)])
        start_gather(0, rows0, av0, semr0, sema0)

        def pair(j, carry):
            i0 = 2 * j
            start_gather(i0 + 1, rows1, av1, semr1, sema1)
            wait_gather(rows0, av0, semr0, sema0)
            scatter_block(i0, rows0, av0, sema0)

            @pl.when(i0 + 2 < n)
            def _():
                start_gather(i0 + 2, rows0, av0, semr0, sema0)

            wait_gather(rows1, av1, semr1, sema1)
            scatter_block(i0 + 1, rows1, av1, sema1)
            return carry

        lax.fori_loop(0, n // 2, pair, 0)
        if n % 2:
            wait_gather(rows0, av0, semr0, sema0)
            scatter_block(n - 1, rows0, av0, sema0)

    plsc.subcore_barrier()

    pltpu.sync_copy(hacc.at[pl.ds(s * _RPT, _RPT)],
                    ph_hbm.at[c, pl.ds(s * _RPT, _RPT)])

    @pl.when(s == 0)
    def _():
        pltpu.sync_copy(aacc, pa_hbm.at[c])


_BN = 512


def _att_body(x_ref, w_ref, b_ref, o_ref):
    xr = x_ref[...].astype(jnp.bfloat16).astype(jnp.float32)
    wr = w_ref[0:1, :].astype(jnp.bfloat16).astype(jnp.float32)
    att = jnp.sum(xr * wr, axis=1, keepdims=True) + b_ref[0, 0]
    o_ref[...] = jnp.broadcast_to(att, o_ref.shape)


def _combine_body(ph_ref, ab_ref, o_ref):
    h = ph_ref[0] + ph_ref[1]
    o_ref[...] = h / (ab_ref[...] + 1e-8)


def kernel(node_feats, edge_index, W_att, b_att):
    src = edge_index[0].reshape(_NW, _NBLK, _BLK)
    dst = edge_index[1].reshape(_NW, _NBLK, _BLK)
    z = jnp.zeros((_NP, _H), jnp.float32)
    z1 = jnp.zeros((_NP,), jnp.float32)
    wb = jnp.broadcast_to(W_att.reshape(1, _H), (8, _H))
    b2 = b_att.reshape(1, 1)

    attb = pl.pallas_call(
        _att_body,
        grid=(_NP // _BN,),
        in_specs=[
            pl.BlockSpec((_BN, _H), lambda k: (k, 0)),
            pl.BlockSpec((8, _H), lambda k: (0, 0)),
            pl.BlockSpec(memory_space=pltpu.SMEM),
        ],
        out_specs=pl.BlockSpec((_BN, _H), lambda k: (k, 0)),
        out_shape=jax.ShapeDtypeStruct((_NP, _H), jnp.float32),
    )(node_feats, wb, b2)
    att1 = attb[:, 0]

    ph, pa = _sc_scatter(node_feats, att1, src, dst, z, z1)

    asum = pa[0] + pa[1]
    ab = jnp.broadcast_to(asum[:, None], (_NP, _H))
    out = pl.pallas_call(
        _combine_body,
        grid=(_NP // _BN,),
        in_specs=[
            pl.BlockSpec((2, _BN, _H), lambda k: (0, k, 0)),
            pl.BlockSpec((_BN, _H), lambda k: (k, 0)),
        ],
        out_specs=pl.BlockSpec((_BN, _H), lambda k: (k, 0)),
        out_shape=jax.ShapeDtypeStruct((_NP, _H), jnp.float32),
    )(ph, ab)
    return out[:_N]

# --- scband reference (transcript-rebuilt; emitter-appended) ---
"""Pipeline reference for scband-global-readout-11158325035413 (READ-ONLY COPY).

The authoritative reference and input builder live on the scoring server;
editing this copy changes nothing except your own understanding.
"""

import jax, jax.numpy as jnp
import numpy as np

N = 10000
E = 320000
H = 128


def setup_inputs(seed: int = 0) -> dict:
    key = jax.random.key(seed)
    k1, k2, k3 = jax.random.split(key, 3)
    node_feats = jax.random.normal(k1, (N, H), dtype=jnp.float32)
    edge_index = jax.random.randint(k2, (2, E), 0, N)
    W_att = jax.random.normal(k3, (H, 1), dtype=jnp.float32) * 0.05
    b_att = jnp.zeros((1,), dtype=jnp.float32)
    return {"node_feats": node_feats, "edge_index": edge_index, "W_att": W_att, "b_att": b_att}


def reference(node_feats, edge_index, W_att, b_att):
    # attention score per node: Linear(hidden_size, 1)
    att = node_feats @ W_att + b_att  # [N, 1]
    src = edge_index[0]
    dst = edge_index[1]
    n = node_feats.shape[0]
    d = node_feats.shape[1]
    # update_all(copy_u('h'), sum) -> scatter-add of source node feats into dst
    h_sum = jnp.zeros((n, d), dtype=node_feats.dtype).at[dst].add(node_feats[src])
    # update_all(copy_u('att'), sum) -> scatter-add of source att into dst
    att_sum = jnp.zeros((n, 1), dtype=node_feats.dtype).at[dst].add(att[src])
    graph_repr = h_sum / (att_sum + 1e-08)
    return graph_repr

if __name__ == "__main__":
    import jax
    _d = setup_inputs()
    print(jax.jit(kernel)(*tuple(_d.values())))

</pallas_src>

<mosaic_0001>
#map = affine_map<(d0, d1) -> (0, 0)>
#map1 = affine_map<(d0, d1) -> (0)>
#map2 = affine_map<(d0, d1) -> (0, 0, 0)>
module attributes {stable_mosaic.version = 14 : i64} {
  func.func @_sc_scatter(%arg0: i32, %arg1: i32, %arg2: memref<10000x128xf32, #tpu.memory_space<hbm>>, %arg3: memref<10240xf32, #tpu.memory_space<hbm>>, %arg4: memref<32x125x80xi32, #tpu.memory_space<hbm>>, %arg5: memref<32x125x80xi32, #tpu.memory_space<hbm>>, %arg6: memref<10240x128xf32, #tpu.memory_space<hbm>>, %arg7: memref<10240xf32, #tpu.memory_space<hbm>>, %arg8: memref<2x10240x128xf32, #tpu.memory_space<hbm>>, %arg9: memref<2x10240xf32, #tpu.memory_space<hbm>>, %arg10: memref<128x80xi32, #tpu.memory_space<vmem>>, %arg11: memref<80x128xf32, #tpu.memory_space<vmem>>, %arg12: memref<80x128xf32, #tpu.memory_space<vmem>>, %arg13: memref<80xf32, #tpu.memory_space<vmem>>, %arg14: memref<80xf32, #tpu.memory_space<vmem>>, %arg15: memref<10240x128xf32, #tpu.memory_space<vmem_shared>>, %arg16: memref<10240xf32, #tpu.memory_space<vmem_shared>>, %arg17: memref<!tpu.dma_semaphore, #tpu.memory_space<semaphore_mem>>, %arg18: memref<!tpu.dma_semaphore, #tpu.memory_space<semaphore_mem>>, %arg19: memref<!tpu.dma_semaphore, #tpu.memory_space<semaphore_mem>>, %arg20: memref<!tpu.dma_semaphore, #tpu.memory_space<semaphore_mem>>) attributes {dimension_semantics = [#tpu.dimension_semantics<core_parallel>, #tpu.dimension_semantics<subcore_parallel>], iteration_bounds = array<i64: 2, 16>, scalar_prefetch = 0 : i64, scratch_operands = 11 : i64, tpu.core_type = #tpu.core_type<sc_vector_subcore>, window_params = [{transform_indices = #map}, {transform_indices = #map1}, {transform_indices = #map2}, {transform_indices = #map2}, {transform_indices = #map}, {transform_indices = #map1}, {transform_indices = #map2}, {transform_indices = #map}]} {
    %mul3A = arith.constant 2 : i32
    %mul3A_0 = arith.muli %arg1, %mul3A : i32
    %add3A = arith.addi %mul3A_0, %arg0 : i32
    %mul3A_1 = arith.constant 640 : i32
    %mul3A_2 = arith.muli %arg1, %mul3A_1 : i32
    %mul3A_3 = arith.constant 640 : i32
    %mul3A_4 = arith.muli %arg1, %mul3A_3 : i32
    "tpu.region"() ({
      %run_scoped3A_77 = tpu.sem_alloc : memref<!tpu.dma_semaphore, #tpu.memory_space<semaphore_mem>>
      %dma_start3A_78 = arith.constant 0 : i32
      %dma_start3A_79 = tpu.memref_slice %arg15[%mul3A_4, %dma_start3A_78] : memref<10240x128xf32, #tpu.memory_space<vmem_shared>> -> memref<640x128xf32, #tpu.memory_space<vmem_shared>>
      %dma_start3A_80 = arith.constant 0 : i32
      %dma_start3A_81 = tpu.memref_slice %arg6[%mul3A_2, %dma_start3A_80] : memref<10240x128xf32, #tpu.memory_space<hbm>> -> memref<640x128xf32, #tpu.memory_space<hbm>>
      tpu.enqueue_dma source(%dma_start3A_81 : memref<640x128xf32, #tpu.memory_space<hbm>>) target(%dma_start3A_79 : memref<640x128xf32, #tpu.memory_space<vmem_shared>>) target_semaphore(%run_scoped3A_77 : memref<!tpu.dma_semaphore, #tpu.memory_space<semaphore_mem>>)
      %dma_wait3A_82 = arith.constant 0 : i32
      %dma_wait3A_83 = tpu.memref_slice %arg15[%mul3A_4, %dma_wait3A_82] : memref<10240x128xf32, #tpu.memory_space<vmem_shared>> -> memref<640x128xf32, #tpu.memory_space<vmem_shared>>
      %dma_wait3A_84 = arith.constant 0 : i32
      %dma_wait3A_85 = tpu.memref_slice %arg6[%mul3A_2, %dma_wait3A_84] : memref<10240x128xf32, #tpu.memory_space<hbm>> -> memref<640x128xf32, #tpu.memory_space<hbm>>
      tpu.wait_dma2 semaphore(%run_scoped3A_77 : memref<!tpu.dma_semaphore, #tpu.memory_space<semaphore_mem>>) src(%dma_wait3A_85 : memref<640x128xf32, #tpu.memory_space<hbm>>) dst(%dma_wait3A_83 : memref<640x128xf32, #tpu.memory_space<vmem_shared>>)
      tpu.yield
    }) : () -> ()
    %eq3A = arith.constant 0 : i32
    %eq3A_5 = arith.cmpi eq, %arg1, %eq3A : i32
    %convert_element_type3A = arith.extui %eq3A_5 : i1 to i32
    %cond3A = arith.constant 0 : i32
    %cond3A_6 = arith.cmpi ne, %convert_element_type3A, %cond3A : i32
    scf.if %cond3A_6 {
      "tpu.region"() ({
        %run_scoped3A_77 = tpu.sem_alloc : memref<!tpu.dma_semaphore, #tpu.memory_space<semaphore_mem>>
        tpu.enqueue_dma source(%arg7 : memref<10240xf32, #tpu.memory_space<hbm>>) target(%arg16 : memref<10240xf32, #tpu.memory_space<vmem_shared>>) target_semaphore(%run_scoped3A_77 : memref<!tpu.dma_semaphore, #tpu.memory_space<semaphore_mem>>)
        tpu.wait_dma2 semaphore(%run_scoped3A_77 : memref<!tpu.dma_semaphore, #tpu.memory_space<semaphore_mem>>) src(%arg7 : memref<10240xf32, #tpu.memory_space<hbm>>) dst(%arg16 : memref<10240xf32, #tpu.memory_space<vmem_shared>>)
        tpu.yield
      }) : () -> ()
    } else {
    }
    %barrier3A = arith.constant 0 : index
    tpu.barrier barrier_id(%barrier3A)
    "tpu.region"() ({
      %run_scoped3A_77 = tpu.sem_alloc : memref<!tpu.dma_semaphore, #tpu.memory_space<semaphore_mem>>
      %dma_start3A_78 = arith.constant 0 : i32
      %dma_start3A_79 = arith.constant 0 : i32
      %dma_start3A_80 = tpu.memref_slice %arg10[%dma_start3A_78, %dma_start3A_79] : memref<128x80xi32, #tpu.memory_space<vmem>> -> memref<64x80xi32, #tpu.memory_space<vmem>>
      %dma_start3A_81 = arith.constant 0 : i32
      %dma_start3A_82 = arith.constant 0 : i32
      %dma_start3A_83 = tpu.memref_slice %arg4[%add3A, %dma_start3A_81, %dma_start3A_82] : memref<32x125x80xi32, #tpu.memory_space<hbm>> -> memref<1x64x80xi32, #tpu.memory_space<hbm>>
      %dma_start3A_84 = tpu.memref_squeeze %dma_start3A_83 : memref<1x64x80xi32, #tpu.memory_space<hbm>> -> memref<64x80xi32, #tpu.memory_space<hbm>>
      %dma_start3A_85 = arith.constant 0 : i32
      %dma_start3A_86 = arith.constant 0 : i32
      %dma_start3A_87 = tpu.memref_slice %arg10[%dma_start3A_85, %dma_start3A_86] : memref<128x80xi32, #tpu.memory_space<vmem>> -> memref<64x80xi32, #tpu.memory_space<vmem>>
      %dma_start3A_88 = arith.constant 0 : i32
      %dma_start3A_89 = arith.constant 0 : i32
      %dma_start3A_90 = tpu.memref_slice %arg4[%add3A, %dma_start3A_88, %dma_start3A_89] : memref<32x125x80xi32, #tpu.memory_space<hbm>> -> memref<1x64x80xi32, #tpu.memory_space<hbm>>
      %dma_start3A_91 = tpu.memref_squeeze %dma_start3A_90 : memref<1x64x80xi32, #tpu.memory_space<hbm>> -> memref<64x80xi32, #tpu.memory_space<hbm>>
      tpu.enqueue_dma source(%dma_start3A_91 : memref<64x80xi32, #tpu.memory_space<hbm>>) target(%dma_start3A_87 : memref<64x80xi32, #tpu.memory_space<vmem>>) target_semaphore(%run_scoped3A_77 : memref<!tpu.dma_semaphore, #tpu.memory_space<semaphore_mem>>)
      %dma_wait3A_92 = arith.constant 0 : i32
      %dma_wait3A_93 = arith.constant 0 : i32
      %dma_wait3A_94 = tpu.memref_slice %arg10[%dma_wait3A_92, %dma_wait3A_93] : memref<128x80xi32, #tpu.memory_space<vmem>> -> memref<64x80xi32, #tpu.memory_space<vmem>>
      %dma_wait3A_95 = arith.constant 0 : i32
      %dma_wait3A_96 = arith.constant 0 : i32
      %dma_wait3A_97 = tpu.memref_slice %arg4[%add3A, %dma_wait3A_95, %dma_wait3A_96] : memref<32x125x80xi32, #tpu.memory_space<hbm>> -> memref<1x64x80xi32, #tpu.memory_space<hbm>>
      %dma_wait3A_98 = tpu.memref_squeeze %dma_wait3A_97 : memref<1x64x80xi32, #tpu.memory_space<hbm>> -> memref<64x80xi32, #tpu.memory_space<hbm>>
      %dma_wait3A_99 = arith.constant 0 : i32
      %dma_wait3A_100 = arith.constant 0 : i32
      %dma_wait3A_101 = tpu.memref_slice %arg10[%dma_wait3A_99, %dma_wait3A_100] : memref<128x80xi32, #tpu.memory_space<vmem>> -> memref<64x80xi32, #tpu.memory_space<vmem>>
      %dma_wait3A_102 = arith.constant 0 : i32
      %dma_wait3A_103 = arith.constant 0 : i32
      %dma_wait3A_104 = tpu.memref_slice %arg4[%add3A, %dma_wait3A_102, %dma_wait3A_103] : memref<32x125x80xi32, #tpu.memory_space<hbm>> -> memref<1x64x80xi32, #tpu.memory_space<hbm>>
      %dma_wait3A_105 = tpu.memref_squeeze %dma_wait3A_104 : memref<1x64x80xi32, #tpu.memory_space<hbm>> -> memref<64x80xi32, #tpu.memory_space<hbm>>
      tpu.wait_dma2 semaphore(%run_scoped3A_77 : memref<!tpu.dma_semaphore, #tpu.memory_space<semaphore_mem>>) src(%dma_wait3A_105 : memref<64x80xi32, #tpu.memory_space<hbm>>) dst(%dma_wait3A_101 : memref<64x80xi32, #tpu.memory_space<vmem>>)
      tpu.yield
    }) : () -> ()
    "tpu.region"() ({
      %run_scoped3A_77 = tpu.sem_alloc : memref<!tpu.dma_semaphore, #tpu.memory_space<semaphore_mem>>
      %dma_start3A_78 = arith.constant 64 : i32
      %dma_start3A_79 = arith.constant 0 : i32
      %dma_start3A_80 = tpu.memref_slice %arg10[%dma_start3A_78, %dma_start3A_79] : memref<128x80xi32, #tpu.memory_space<vmem>> -> memref<64x80xi32, #tpu.memory_space<vmem>>
      %dma_start3A_81 = arith.constant 0 : i32
      %dma_start3A_82 = arith.constant 0 : i32
      %dma_start3A_83 = tpu.memref_slice %arg5[%add3A, %dma_start3A_81, %dma_start3A_82] : memref<32x125x80xi32, #tpu.memory_space<hbm>> -> memref<1x64x80xi32, #tpu.memory_space<hbm>>
      %dma_start3A_84 = tpu.memref_squeeze %dma_start3A_83 : memref<1x64x80xi32, #tpu.memory_space<hbm>> -> memref<64x80xi32, #tpu.memory_space<hbm>>
      %dma_start3A_85 = arith.constant 64 : i32
      %dma_start3A_86 = arith.constant 0 : i32
      %dma_start3A_87 = tpu.memref_slice %arg10[%dma_start3A_85, %dma_start3A_86] : memref<128x80xi32, #tpu.memory_space<vmem>> -> memref<64x80xi32, #tpu.memory_space<vmem>>
      %dma_start3A_88 = arith.constant 0 : i32
      %dma_start3A_89 = arith.constant 0 : i32
      %dma_start3A_90 = tpu.memref_slice %arg5[%add3A, %dma_start3A_88, %dma_start3A_89] : memref<32x125x80xi32, #tpu.memory_space<hbm>> -> memref<1x64x80xi32, #tpu.memory_space<hbm>>
      %dma_start3A_91 = tpu.memref_squeeze %dma_start3A_90 : memref<1x64x80xi32, #tpu.memory_space<hbm>> -> memref<64x80xi32, #tpu.memory_space<hbm>>
      tpu.enqueue_dma source(%dma_start3A_91 : memref<64x80xi32, #tpu.memory_space<hbm>>) target(%dma_start3A_87 : memref<64x80xi32, #tpu.memory_space<vmem>>) target_semaphore(%run_scoped3A_77 : memref<!tpu.dma_semaphore, #tpu.memory_space<semaphore_mem>>)
      %dma_wait3A_92 = arith.constant 64 : i32
      %dma_wait3A_93 = arith.constant 0 : i32
      %dma_wait3A_94 = tpu.memref_slice %arg10[%dma_wait3A_92, %dma_wait3A_93] : memref<128x80xi32, #tpu.memory_space<vmem>> -> memref<64x80xi32, #tpu.memory_space<vmem>>
      %dma_wait3A_95 = arith.constant 0 : i32
      %dma_wait3A_96 = arith.constant 0 : i32
      %dma_wait3A_97 = tpu.memref_slice %arg5[%add3A, %dma_wait3A_95, %dma_wait3A_96] : memref<32x125x80xi32, #tpu.memory_space<hbm>> -> memref<1x64x80xi32, #tpu.memory_space<hbm>>
      %dma_wait3A_98 = tpu.memref_squeeze %dma_wait3A_97 : memref<1x64x80xi32, #tpu.memory_space<hbm>> -> memref<64x80xi32, #tpu.memory_space<hbm>>
      %dma_wait3A_99 = arith.constant 64 : i32
      %dma_wait3A_100 = arith.constant 0 : i32
      %dma_wait3A_101 = tpu.memref_slice %arg10[%dma_wait3A_99, %dma_wait3A_100] : memref<128x80xi32, #tpu.memory_space<vmem>> -> memref<64x80xi32, #tpu.memory_space<vmem>>
      %dma_wait3A_102 = arith.constant 0 : i32
      %dma_wait3A_103 = arith.constant 0 : i32
      %dma_wait3A_104 = tpu.memref_slice %arg5[%add3A, %dma_wait3A_102, %dma_wait3A_103] : memref<32x125x80xi32, #tpu.memory_space<hbm>> -> memref<1x64x80xi32, #tpu.memory_space<hbm>>
      %dma_wait3A_105 = tpu.memref_squeeze %dma_wait3A_104 : memref<1x64x80xi32, #tpu.memory_space<hbm>> -> memref<64x80xi32, #tpu.memory_space<hbm>>
      tpu.wait_dma2 semaphore(%run_scoped3A_77 : memref<!tpu.dma_semaphore, #tpu.memory_space<semaphore_mem>>) src(%dma_wait3A_105 : memref<64x80xi32, #tpu.memory_space<hbm>>) dst(%dma_wait3A_101 : memref<64x80xi32, #tpu.memory_space<vmem>>)
      tpu.yield
    }) : () -> ()
    %dma_start3A = arith.constant 0 : i32
    %dma_start3A_7 = arith.constant 0 : i32
    %dma_start3A_8 = tpu.memref_slice %arg10[%dma_start3A, %dma_start3A_7] : memref<128x80xi32, #tpu.memory_space<vmem>> -> memref<1x80xi32, #tpu.memory_space<vmem>>
    %dma_start3A_9 = tpu.memref_squeeze %dma_start3A_8 : memref<1x80xi32, #tpu.memory_space<vmem>> -> memref<80xi32, #tpu.memory_space<vmem>>
    %dma_start3A_10 = arith.constant 0 : i32
    %dma_start3A_11 = arith.constant 0 : i32
    %dma_start3A_12 = tpu.memref_slice %arg2[%dma_start3A_10, %dma_start3A_11] : memref<10000x128xf32, #tpu.memory_space<hbm>> -> memref<10000x128xf32, #tpu.memory_space<hbm>>
    tpu.enqueue_indirect_dma source(%dma_start3A_12 : memref<10000x128xf32, #tpu.memory_space<hbm>>) target(%arg11 : memref<80x128xf32, #tpu.memory_space<vmem>>) offsets(%dma_start3A_9 : memref<80xi32, #tpu.memory_space<vmem>>) semaphore(%arg17 : memref<!tpu.dma_semaphore, #tpu.memory_space<semaphore_mem>>)
    %dma_start3A_13 = arith.constant 0 : i32
    %dma_start3A_14 = arith.constant 0 : i32
    %dma_start3A_15 = tpu.memref_slice %arg10[%dma_start3A_13, %dma_start3A_14] : memref<128x80xi32, #tpu.memory_space<vmem>> -> memref<1x80xi32, #tpu.memory_space<vmem>>
    %dma_start3A_16 = tpu.memref_squeeze %dma_start3A_15 : memref<1x80xi32, #tpu.memory_space<vmem>> -> memref<80xi32, #tpu.memory_space<vmem>>
    %dma_start3A_17 = arith.constant 0 : i32
    %dma_start3A_18 = tpu.memref_slice %arg3[%dma_start3A_17] : memref<10240xf32, #tpu.memory_space<hbm>> -> memref<10240xf32, #tpu.memory_space<hbm>>
    tpu.enqueue_indirect_dma source(%dma_start3A_18 : memref<10240xf32, #tpu.memory_space<hbm>>) target(%arg13 : memref<80xf32, #tpu.memory_space<vmem>>) offsets(%dma_start3A_16 : memref<80xi32, #tpu.memory_space<vmem>>) semaphore(%arg19 : memref<!tpu.dma_semaphore, #tpu.memory_space<semaphore_mem>>)
    %scan3A = arith.constant 0 : i32
    %scan3A_19 = arith.constant 0 : i32
    %scan3A_20 = arith.constant 32 : i32
    %scan3A_21 = arith.addi %scan3A_19, %scan3A_20 : i32
    %scan3A_22 = arith.constant 1 : i32
    scf.for %scan3A_77 = %scan3A_19 to %scan3A_21 step %scan3A_22  : i32 {
      %mul3A_78 = arith.constant 2 : i32
      %mul3A_79 = arith.muli %mul3A_78, %scan3A_77 : i32
      %add3A_80 = arith.constant 1 : i32
      %add3A_81 = arith.addi %mul3A_79, %add3A_80 : i32
      %dma_start3A_82 = arith.constant 0 : i32
      %dma_start3A_83 = tpu.memref_slice %arg10[%add3A_81, %dma_start3A_82] : memref<128x80xi32, #tpu.memory_space<vmem>> -> memref<1x80xi32, #tpu.memory_space<vmem>>
      %dma_start3A_84 = tpu.memref_squeeze %dma_start3A_83 : memref<1x80xi32, #tpu.memory_space<vmem>> -> memref<80xi32, #tpu.memory_space<vmem>>
      %dma_start3A_85 = arith.constant 0 : i32
      %dma_start3A_86 = arith.constant 0 : i32
      %dma_start3A_87 = tpu.memref_slice %arg2[%dma_start3A_85, %dma_start3A_86] : memref<10000x128xf32, #tpu.memory_space<hbm>> -> memref<10000x128xf32, #tpu.memory_space<hbm>>
      tpu.enqueue_indirect_dma source(%dma_start3A_87 : memref<10000x128xf32, #tpu.memory_space<hbm>>) target(%arg12 : memref<80x128xf32, #tpu.memory_space<vmem>>) offsets(%dma_start3A_84 : memref<80xi32, #tpu.memory_space<vmem>>) semaphore(%arg18 : memref<!tpu.dma_semaphore, #tpu.memory_space<semaphore_mem>>)
      %dma_start3A_88 = arith.constant 0 : i32
      %dma_start3A_89 = tpu.memref_slice %arg10[%add3A_81, %dma_start3A_88] : memref<128x80xi32, #tpu.memory_space<vmem>> -> memref<1x80xi32, #tpu.memory_space<vmem>>
      %dma_start3A_90 = tpu.memref_squeeze %dma_start3A_89 : memref<1x80xi32, #tpu.memory_space<vmem>> -> memref<80xi32, #tpu.memory_space<vmem>>
      %dma_start3A_91 = arith.constant 0 : i32
      %dma_start3A_92 = tpu.memref_slice %arg3[%dma_start3A_91] : memref<10240xf32, #tpu.memory_space<hbm>> -> memref<10240xf32, #tpu.memory_space<hbm>>
      tpu.enqueue_indirect_dma source(%dma_start3A_92 : memref<10240xf32, #tpu.memory_space<hbm>>) target(%arg14 : memref<80xf32, #tpu.memory_space<vmem>>) offsets(%dma_start3A_90 : memref<80xi32, #tpu.memory_space<vmem>>) semaphore(%arg20 : memref<!tpu.dma_semaphore, #tpu.memory_space<semaphore_mem>>)
      %dma_wait3A_93 = arith.constant 0 : i32
      %dma_wait3A_94 = arith.constant 0 : i32
      %dma_wait3A_95 = tpu.memref_slice %arg10[%dma_wait3A_93, %dma_wait3A_94] : memref<128x80xi32, #tpu.memory_space<vmem>> -> memref<1x80xi32, #tpu.memory_space<vmem>>
      %dma_wait3A_96 = tpu.memref_squeeze %dma_wait3A_95 : memref<1x80xi32, #tpu.memory_space<vmem>> -> memref<80xi32, #tpu.memory_space<vmem>>
      %dma_wait3A_97 = arith.constant 0 : i32
      %dma_wait3A_98 = arith.constant 0 : i32
      %dma_wait3A_99 = tpu.memref_slice %arg2[%dma_wait3A_97, %dma_wait3A_98] : memref<10000x128xf32, #tpu.memory_space<hbm>> -> memref<10000x128xf32, #tpu.memory_space<hbm>>
      tpu.wait_indirect_dma semaphore(%arg17 : memref<!tpu.dma_semaphore, #tpu.memory_space<semaphore_mem>>) src(%dma_wait3A_99 : memref<10000x128xf32, #tpu.memory_space<hbm>>) dst(%arg11 : memref<80x128xf32, #tpu.memory_space<vmem>>)
      %dma_wait3A_100 = arith.constant 0 : i32
      %dma_wait3A_101 = arith.constant 0 : i32
      %dma_wait3A_102 = tpu.memref_slice %arg10[%dma_wait3A_100, %dma_wait3A_101] : memref<128x80xi32, #tpu.memory_space<vmem>> -> memref<1x80xi32, #tpu.memory_space<vmem>>
      %dma_wait3A_103 = tpu.memref_squeeze %dma_wait3A_102 : memref<1x80xi32, #tpu.memory_space<vmem>> -> memref<80xi32, #tpu.memory_space<vmem>>
      %dma_wait3A_104 = arith.constant 0 : i32
      %dma_wait3A_105 = tpu.memref_slice %arg3[%dma_wait3A_104] : memref<10240xf32, #tpu.memory_space<hbm>> -> memref<10240xf32, #tpu.memory_space<hbm>>
      tpu.wait_indirect_dma semaphore(%arg19 : memref<!tpu.dma_semaphore, #tpu.memory_space<semaphore_mem>>) src(%dma_wait3A_105 : memref<10240xf32, #tpu.memory_space<hbm>>) dst(%arg13 : memref<80xf32, #tpu.memory_space<vmem>>)
      %add3A_106 = arith.constant 64 : i32
      %add3A_107 = arith.addi %add3A_106, %mul3A_79 : i32
      %dma_start3A_108 = arith.constant 0 : i32
      %dma_start3A_109 = tpu.memref_slice %arg10[%add3A_107, %dma_start3A_108] : memref<128x80xi32, #tpu.memory_space<vmem>> -> memref<1x80xi32, #tpu.memory_space<vmem>>
      %dma_start3A_110 = tpu.memref_squeeze %dma_start3A_109 : memref<1x80xi32, #tpu.memory_space<vmem>> -> memref<80xi32, #tpu.memory_space<vmem>>
      %dma_start3A_111 = arith.constant 0 : i32
      %dma_start3A_112 = tpu.memref_slice %arg16[%dma_start3A_111] : memref<10240xf32, #tpu.memory_space<vmem_shared>> -> memref<10240xf32, #tpu.memory_space<vmem_shared>>
      tpu.enqueue_indirect_dma source(%arg13 : memref<80xf32, #tpu.memory_space<vmem>>) target(%dma_start3A_112 : memref<10240xf32, #tpu.memory_space<vmem_shared>>) offsets(%dma_start3A_110 : memref<80xi32, #tpu.memory_space<vmem>>) semaphore(%arg19 : memref<!tpu.dma_semaphore, #tpu.memory_space<semaphore_mem>>) {add = true}
      %add3A_113 = arith.constant 64 : i32
      %add3A_114 = arith.addi %add3A_113, %mul3A_79 : i32
      "tpu.region"() ({
        %run_scoped3A_155 = tpu.sem_alloc : memref<!tpu.dma_semaphore, #tpu.memory_space<semaphore_mem>>
        %dma_start3A_156 = arith.constant 0 : i32
        %dma_start3A_157 = tpu.memref_slice %arg10[%add3A_114, %dma_start3A_156] : memref<128x80xi32, #tpu.memory_space<vmem>> -> memref<1x80xi32, #tpu.memory_space<vmem>>
        %dma_start3A_158 = tpu.memref_squeeze %dma_start3A_157 : memref<1x80xi32, #tpu.memory_space<vmem>> -> memref<80xi32, #tpu.memory_space<vmem>>
        %dma_start3A_159 = arith.constant 0 : i32
        %dma_start3A_160 = arith.constant 0 : i32
        %dma_start3A_161 = tpu.memref_slice %arg15[%dma_start3A_159, %dma_start3A_160] : memref<10240x128xf32, #tpu.memory_space<vmem_shared>> -> memref<10240x128xf32, #tpu.memory_space<vmem_shared>>
        tpu.enqueue_indirect_dma source(%arg11 : memref<80x128xf32, #tpu.memory_space<vmem>>) target(%dma_start3A_161 : memref<10240x128xf32, #tpu.memory_space<vmem_shared>>) offsets(%dma_start3A_158 : memref<80xi32, #tpu.memory_space<vmem>>) semaphore(%run_scoped3A_155 : memref<!tpu.dma_semaphore, #tpu.memory_space<semaphore_mem>>) {add = true}
        %dma_wait3A_162 = arith.constant 0 : i32
        %dma_wait3A_163 = tpu.memref_slice %arg10[%add3A_114, %dma_wait3A_162] : memref<128x80xi32, #tpu.memory_space<vmem>> -> memref<1x80xi32, #tpu.memory_space<vmem>>
        %dma_wait3A_164 = tpu.memref_squeeze %dma_wait3A_163 : memref<1x80xi32, #tpu.memory_space<vmem>> -> memref<80xi32, #tpu.memory_space<vmem>>
        %dma_wait3A_165 = arith.constant 0 : i32
        %dma_wait3A_166 = arith.constant 0 : i32
        %dma_wait3A_167 = tpu.memref_slice %arg15[%dma_wait3A_165, %dma_wait3A_166] : memref<10240x128xf32, #tpu.memory_space<vmem_shared>> -> memref<10240x128xf32, #tpu.memory_space<vmem_shared>>
        tpu.wait_indirect_dma semaphore(%run_scoped3A_155 : memref<!tpu.dma_semaphore, #tpu.memory_space<semaphore_mem>>) src(%arg11 : memref<80x128xf32, #tpu.memory_space<vmem>>) dst(%dma_wait3A_167 : memref<10240x128xf32, #tpu.memory_space<vmem_shared>>)
        tpu.yield
      }) : () -> ()
      %dma_wait3A_115 = arith.constant 0 : i32
      %dma_wait3A_116 = tpu.memref_slice %arg10[%add3A_107, %dma_wait3A_115] : memref<128x80xi32, #tpu.memory_space<vmem>> -> memref<1x80xi32, #tpu.memory_space<vmem>>
      %dma_wait3A_117 = tpu.memref_squeeze %dma_wait3A_116 : memref<1x80xi32, #tpu.memory_space<vmem>> -> memref<80xi32, #tpu.memory_space<vmem>>
      %dma_wait3A_118 = arith.constant 0 : i32
      %dma_wait3A_119 = tpu.memref_slice %arg16[%dma_wait3A_118] : memref<10240xf32, #tpu.memory_space<vmem_shared>> -> memref<10240xf32, #tpu.memory_space<vmem_shared>>
      tpu.wait_indirect_dma semaphore(%arg19 : memref<!tpu.dma_semaphore, #tpu.memory_space<semaphore_mem>>) src(%arg13 : memref<80xf32, #tpu.memory_space<vmem>>) dst(%dma_wait3A_119 : memref<10240xf32, #tpu.memory_space<vmem_shared>>)
      %add3A_120 = arith.constant 2 : i32
      %add3A_121 = arith.addi %mul3A_79, %add3A_120 : i32
      %lt3A = arith.constant 64 : i32
      %lt3A_122 = arith.cmpi slt, %add3A_121, %lt3A : i32
      %convert_element_type3A_123 = arith.extui %lt3A_122 : i1 to i32
      %cond3A_124 = arith.constant 0 : i32
      %cond3A_125 = arith.cmpi ne, %convert_element_type3A_123, %cond3A_124 : i32
      scf.if %cond3A_125 {
        %add3A_155 = arith.constant 2 : i32
        %add3A_156 = arith.addi %mul3A_79, %add3A_155 : i32
        %dma_start3A_157 = arith.constant 0 : i32
        %dma_start3A_158 = tpu.memref_slice %arg10[%add3A_156, %dma_start3A_157] : memref<128x80xi32, #tpu.memory_space<vmem>> -> memref<1x80xi32, #tpu.memory_space<vmem>>
        %dma_start3A_159 = tpu.memref_squeeze %dma_start3A_158 : memref<1x80xi32, #tpu.memory_space<vmem>> -> memref<80xi32, #tpu.memory_space<vmem>>
        %dma_start3A_160 = arith.constant 0 : i32
        %dma_start3A_161 = arith.constant 0 : i32
        %dma_start3A_162 = tpu.memref_slice %arg2[%dma_start3A_160, %dma_start3A_161] : memref<10000x128xf32, #tpu.memory_space<hbm>> -> memref<10000x128xf32, #tpu.memory_space<hbm>>
        tpu.enqueue_indirect_dma source(%dma_start3A_162 : memref<10000x128xf32, #tpu.memory_space<hbm>>) target(%arg11 : memref<80x128xf32, #tpu.memory_space<vmem>>) offsets(%dma_start3A_159 : memref<80xi32, #tpu.memory_space<vmem>>) semaphore(%arg17 : memref<!tpu.dma_semaphore, #tpu.memory_space<semaphore_mem>>)
        %dma_start3A_163 = arith.constant 0 : i32
        %dma_start3A_164 = tpu.memref_slice %arg10[%add3A_156, %dma_start3A_163] : memref<128x80xi32, #tpu.memory_space<vmem>> -> memref<1x80xi32, #tpu.memory_space<vmem>>
        %dma_start3A_165 = tpu.memref_squeeze %dma_start3A_164 : memref<1x80xi32, #tpu.memory_space<vmem>> -> memref<80xi32, #tpu.memory_space<vmem>>
        %dma_start3A_166 = arith.constant 0 : i32
        %dma_start3A_167 = tpu.memref_slice %arg3[%dma_start3A_166] : memref<10240xf32, #tpu.memory_space<hbm>> -> memref<10240xf32, #tpu.memory_space<hbm>>
        tpu.enqueue_indirect_dma source(%dma_start3A_167 : memref<10240xf32, #tpu.memory_space<hbm>>) target(%arg13 : memref<80xf32, #tpu.memory_space<vmem>>) offsets(%dma_start3A_165 : memref<80xi32, #tpu.memory_space<vmem>>) semaphore(%arg19 : memref<!tpu.dma_semaphore, #tpu.memory_space<semaphore_mem>>)
      } else {
      }
      %dma_wait3A_126 = arith.constant 0 : i32
      %dma_wait3A_127 = arith.constant 0 : i32
      %dma_wait3A_128 = tpu.memref_slice %arg10[%dma_wait3A_126, %dma_wait3A_127] : memref<128x80xi32, #tpu.memory_space<vmem>> -> memref<1x80xi32, #tpu.memory_space<vmem>>
      %dma_wait3A_129 = tpu.memref_squeeze %dma_wait3A_128 : memref<1x80xi32, #tpu.memory_space<vmem>> -> memref<80xi32, #tpu.memory_space<vmem>>
      %dma_wait3A_130 = arith.constant 0 : i32
      %dma_wait3A_131 = arith.constant 0 : i32
      %dma_wait3A_132 = tpu.memref_slice %arg2[%dma_wait3A_130, %dma_wait3A_131] : memref<10000x128xf32, #tpu.memory_space<hbm>> -> memref<10000x128xf32, #tpu.memory_space<hbm>>
      tpu.wait_indirect_dma semaphore(%arg18 : memref<!tpu.dma_semaphore, #tpu.memory_space<semaphore_mem>>) src(%dma_wait3A_132 : memref<10000x128xf32, #tpu.memory_space<hbm>>) dst(%arg12 : memref<80x128xf32, #tpu.memory_space<vmem>>)
      %dma_wait3A_133 = arith.constant 0 : i32
      %dma_wait3A_134 = arith.constant 0 : i32
      %dma_wait3A_135 = tpu.memref_slice %arg10[%dma_wait3A_133, %dma_wait3A_134] : memref<128x80xi32, #tpu.memory_space<vmem>> -> memref<1x80xi32, #tpu.memory_space<vmem>>
      %dma_wait3A_136 = tpu.memref_squeeze %dma_wait3A_135 : memref<1x80xi32, #tpu.memory_space<vmem>> -> memref<80xi32, #tpu.memory_space<vmem>>
      %dma_wait3A_137 = arith.constant 0 : i32
      %dma_wait3A_138 = tpu.memref_slice %arg3[%dma_wait3A_137] : memref<10240xf32, #tpu.memory_space<hbm>> -> memref<10240xf32, #tpu.memory_space<hbm>>
      tpu.wait_indirect_dma semaphore(%arg20 : memref<!tpu.dma_semaphore, #tpu.memory_space<semaphore_mem>>) src(%dma_wait3A_138 : memref<10240xf32, #tpu.memory_space<hbm>>) dst(%arg14 : memref<80xf32, #tpu.memory_space<vmem>>)
      %add3A_139 = arith.constant 1 : i32
      %add3A_140 = arith.addi %mul3A_79, %add3A_139 : i32
      %add3A_141 = arith.constant 64 : i32
      %add3A_142 = arith.addi %add3A_141, %add3A_140 : i32
      %dma_start3A_143 = arith.constant 0 : i32
      %dma_start3A_144 = tpu.memref_slice %arg10[%add3A_142, %dma_start3A_143] : memref<128x80xi32, #tpu.memory_space<vmem>> -> memref<1x80xi32, #tpu.memory_space<vmem>>
      %dma_start3A_145 = tpu.memref_squeeze %dma_start3A_144 : memref<1x80xi32, #tpu.memory_space<vmem>> -> memref<80xi32, #tpu.memory_space<vmem>>
      %dma_start3A_146 = arith.constant 0 : i32
      %dma_start3A_147 = tpu.memref_slice %arg16[%dma_start3A_146] : memref<10240xf32, #tpu.memory_space<vmem_shared>> -> memref<10240xf32, #tpu.memory_space<vmem_shared>>
      tpu.enqueue_indirect_dma source(%arg14 : memref<80xf32, #tpu.memory_space<vmem>>) target(%dma_start3A_147 : memref<10240xf32, #tpu.memory_space<vmem_shared>>) offsets(%dma_start3A_145 : memref<80xi32, #tpu.memory_space<vmem>>) semaphore(%arg20 : memref<!tpu.dma_semaphore, #tpu.memory_space<semaphore_mem>>) {add = true}
      %add3A_148 = arith.constant 64 : i32
      %add3A_149 = arith.addi %add3A_148, %add3A_140 : i32
      "tpu.region"() ({
        %run_scoped3A_155 = tpu.sem_alloc : memref<!tpu.dma_semaphore, #tpu.memory_space<semaphore_mem>>
        %dma_start3A_156 = arith.constant 0 : i32
        %dma_start3A_157 = tpu.memref_slice %arg10[%add3A_149, %dma_start3A_156] : memref<128x80xi32, #tpu.memory_space<vmem>> -> memref<1x80xi32, #tpu.memory_space<vmem>>
        %dma_start3A_158 = tpu.memref_squeeze %dma_start3A_157 : memref<1x80xi32, #tpu.memory_space<vmem>> -> memref<80xi32, #tpu.memory_space<vmem>>
        %dma_start3A_159 = arith.constant 0 : i32
        %dma_start3A_160 = arith.constant 0 : i32
        %dma_start3A_161 = tpu.memref_slice %arg15[%dma_start3A_159, %dma_start3A_160] : memref<10240x128xf32, #tpu.memory_space<vmem_shared>> -> memref<10240x128xf32, #tpu.memory_space<vmem_shared>>
        tpu.enqueue_indirect_dma source(%arg12 : memref<80x128xf32, #tpu.memory_space<vmem>>) target(%dma_start3A_161 : memref<10240x128xf32, #tpu.memory_space<vmem_shared>>) offsets(%dma_start3A_158 : memref<80xi32, #tpu.memory_space<vmem>>) semaphore(%run_scoped3A_155 : memref<!tpu.dma_semaphore, #tpu.memory_space<semaphore_mem>>) {add = true}
        %dma_wait3A_162 = arith.constant 0 : i32
        %dma_wait3A_163 = tpu.memref_slice %arg10[%add3A_149, %dma_wait3A_162] : memref<128x80xi32, #tpu.memory_space<vmem>> -> memref<1x80xi32, #tpu.memory_space<vmem>>
        %dma_wait3A_164 = tpu.memref_squeeze %dma_wait3A_163 : memref<1x80xi32, #tpu.memory_space<vmem>> -> memref<80xi32, #tpu.memory_space<vmem>>
        %dma_wait3A_165 = arith.constant 0 : i32
        %dma_wait3A_166 = arith.constant 0 : i32
        %dma_wait3A_167 = tpu.memref_slice %arg15[%dma_wait3A_165, %dma_wait3A_166] : memref<10240x128xf32, #tpu.memory_space<vmem_shared>> -> memref<10240x128xf32, #tpu.memory_space<vmem_shared>>
        tpu.wait_indirect_dma semaphore(%run_scoped3A_155 : memref<!tpu.dma_semaphore, #tpu.memory_space<semaphore_mem>>) src(%arg12 : memref<80x128xf32, #tpu.memory_space<vmem>>) dst(%dma_wait3A_167 : memref<10240x128xf32, #tpu.memory_space<vmem_shared>>)
        tpu.yield
      }) : () -> ()
      %dma_wait3A_150 = arith.constant 0 : i32
      %dma_wait3A_151 = tpu.memref_slice %arg10[%add3A_142, %dma_wait3A_150] : memref<128x80xi32, #tpu.memory_space<vmem>> -> memref<1x80xi32, #tpu.memory_space<vmem>>
      %dma_wait3A_152 = tpu.memref_squeeze %dma_wait3A_151 : memref<1x80xi32, #tpu.memory_space<vmem>> -> memref<80xi32, #tpu.memory_space<vmem>>
      %dma_wait3A_153 = arith.constant 0 : i32
      %dma_wait3A_154 = tpu.memref_slice %arg16[%dma_wait3A_153] : memref<10240xf32, #tpu.memory_space<vmem_shared>> -> memref<10240xf32, #tpu.memory_space<vmem_shared>>
      tpu.wait_indirect_dma semaphore(%arg20 : memref<!tpu.dma_semaphore, #tpu.memory_space<semaphore_mem>>) src(%arg14 : memref<80xf32, #tpu.memory_space<vmem>>) dst(%dma_wait3A_154 : memref<10240xf32, #tpu.memory_space<vmem_shared>>)
    }
    %scan3A_23 = arith.constant 32 : i32
    "tpu.region"() ({
      %run_scoped3A_77 = tpu.sem_alloc : memref<!tpu.dma_semaphore, #tpu.memory_space<semaphore_mem>>
      %dma_start3A_78 = arith.constant 0 : i32
      %dma_start3A_79 = arith.constant 0 : i32
      %dma_start3A_80 = tpu.memref_slice %arg10[%dma_start3A_78, %dma_start3A_79] : memref<128x80xi32, #tpu.memory_space<vmem>> -> memref<61x80xi32, #tpu.memory_space<vmem>>
      %dma_start3A_81 = arith.constant 64 : i32
      %dma_start3A_82 = arith.constant 0 : i32
      %dma_start3A_83 = tpu.memref_slice %arg4[%add3A, %dma_start3A_81, %dma_start3A_82] : memref<32x125x80xi32, #tpu.memory_space<hbm>> -> memref<1x61x80xi32, #tpu.memory_space<hbm>>
      %dma_start3A_84 = tpu.memref_squeeze %dma_start3A_83 : memref<1x61x80xi32, #tpu.memory_space<hbm>> -> memref<61x80xi32, #tpu.memory_space<hbm>>
      %dma_start3A_85 = arith.constant 0 : i32
      %dma_start3A_86 = arith.constant 0 : i32
      %dma_start3A_87 = tpu.memref_slice %arg10[%dma_start3A_85, %dma_start3A_86] : memref<128x80xi32, #tpu.memory_space<vmem>> -> memref<61x80xi32, #tpu.memory_space<vmem>>
      %dma_start3A_88 = arith.constant 64 : i32
      %dma_start3A_89 = arith.constant 0 : i32
      %dma_start3A_90 = tpu.memref_slice %arg4[%add3A, %dma_start3A_88, %dma_start3A_89] : memref<32x125x80xi32, #tpu.memory_space<hbm>> -> memref<1x61x80xi32, #tpu.memory_space<hbm>>
      %dma_start3A_91 = tpu.memref_squeeze %dma_start3A_90 : memref<1x61x80xi32, #tpu.memory_space<hbm>> -> memref<61x80xi32, #tpu.memory_space<hbm>>
      tpu.enqueue_dma source(%dma_start3A_91 : memref<61x80xi32, #tpu.memory_space<hbm>>) target(%dma_start3A_87 : memref<61x80xi32, #tpu.memory_space<vmem>>) target_semaphore(%run_scoped3A_77 : memref<!tpu.dma_semaphore, #tpu.memory_space<semaphore_mem>>)
      %dma_wait3A_92 = arith.constant 0 : i32
      %dma_wait3A_93 = arith.constant 0 : i32
      %dma_wait3A_94 = tpu.memref_slice %arg10[%dma_wait3A_92, %dma_wait3A_93] : memref<128x80xi32, #tpu.memory_space<vmem>> -> memref<61x80xi32, #tpu.memory_space<vmem>>
      %dma_wait3A_95 = arith.constant 64 : i32
      %dma_wait3A_96 = arith.constant 0 : i32
      %dma_wait3A_97 = tpu.memref_slice %arg4[%add3A, %dma_wait3A_95, %dma_wait3A_96] : memref<32x125x80xi32, #tpu.memory_space<hbm>> -> memref<1x61x80xi32, #tpu.memory_space<hbm>>
      %dma_wait3A_98 = tpu.memref_squeeze %dma_wait3A_97 : memref<1x61x80xi32, #tpu.memory_space<hbm>> -> memref<61x80xi32, #tpu.memory_space<hbm>>
      %dma_wait3A_99 = arith.constant 0 : i32
      %dma_wait3A_100 = arith.constant 0 : i32
      %dma_wait3A_101 = tpu.memref_slice %arg10[%dma_wait3A_99, %dma_wait3A_100] : memref<128x80xi32, #tpu.memory_space<vmem>> -> memref<61x80xi32, #tpu.memory_space<vmem>>
      %dma_wait3A_102 = arith.constant 64 : i32
      %dma_wait3A_103 = arith.constant 0 : i32
      %dma_wait3A_104 = tpu.memref_slice %arg4[%add3A, %dma_wait3A_102, %dma_wait3A_103] : memref<32x125x80xi32, #tpu.memory_space<hbm>> -> memref<1x61x80xi32, #tpu.memory_space<hbm>>
      %dma_wait3A_105 = tpu.memref_squeeze %dma_wait3A_104 : memref<1x61x80xi32, #tpu.memory_space<hbm>> -> memref<61x80xi32, #tpu.memory_space<hbm>>
      tpu.wait_dma2 semaphore(%run_scoped3A_77 : memref<!tpu.dma_semaphore, #tpu.memory_space<semaphore_mem>>) src(%dma_wait3A_105 : memref<61x80xi32, #tpu.memory_space<hbm>>) dst(%dma_wait3A_101 : memref<61x80xi32, #tpu.memory_space<vmem>>)
      tpu.yield
    }) : () -> ()
    "tpu.region"() ({
      %run_scoped3A_77 = tpu.sem_alloc : memref<!tpu.dma_semaphore, #tpu.memory_space<semaphore_mem>>
      %dma_start3A_78 = arith.constant 64 : i32
      %dma_start3A_79 = arith.constant 0 : i32
      %dma_start3A_80 = tpu.memref_slice %arg10[%dma_start3A_78, %dma_start3A_79] : memref<128x80xi32, #tpu.memory_space<vmem>> -> memref<61x80xi32, #tpu.memory_space<vmem>>
      %dma_start3A_81 = arith.constant 64 : i32
      %dma_start3A_82 = arith.constant 0 : i32
      %dma_start3A_83 = tpu.memref_slice %arg5[%add3A, %dma_start3A_81, %dma_start3A_82] : memref<32x125x80xi32, #tpu.memory_space<hbm>> -> memref<1x61x80xi32, #tpu.memory_space<hbm>>
      %dma_start3A_84 = tpu.memref_squeeze %dma_start3A_83 : memref<1x61x80xi32, #tpu.memory_space<hbm>> -> memref<61x80xi32, #tpu.memory_space<hbm>>
      %dma_start3A_85 = arith.constant 64 : i32
      %dma_start3A_86 = arith.constant 0 : i32
      %dma_start3A_87 = tpu.memref_slice %arg10[%dma_start3A_85, %dma_start3A_86] : memref<128x80xi32, #tpu.memory_space<vmem>> -> memref<61x80xi32, #tpu.memory_space<vmem>>
      %dma_start3A_88 = arith.constant 64 : i32
      %dma_start3A_89 = arith.constant 0 : i32
      %dma_start3A_90 = tpu.memref_slice %arg5[%add3A, %dma_start3A_88, %dma_start3A_89] : memref<32x125x80xi32, #tpu.memory_space<hbm>> -> memref<1x61x80xi32, #tpu.memory_space<hbm>>
      %dma_start3A_91 = tpu.memref_squeeze %dma_start3A_90 : memref<1x61x80xi32, #tpu.memory_space<hbm>> -> memref<61x80xi32, #tpu.memory_space<hbm>>
      tpu.enqueue_dma source(%dma_start3A_91 : memref<61x80xi32, #tpu.memory_space<hbm>>) target(%dma_start3A_87 : memref<61x80xi32, #tpu.memory_space<vmem>>) target_semaphore(%run_scoped3A_77 : memref<!tpu.dma_semaphore, #tpu.memory_space<semaphore_mem>>)
      %dma_wait3A_92 = arith.constant 64 : i32
      %dma_wait3A_93 = arith.constant 0 : i32
      %dma_wait3A_94 = tpu.memref_slice %arg10[%dma_wait3A_92, %dma_wait3A_93] : memref<128x80xi32, #tpu.memory_space<vmem>> -> memref<61x80xi32, #tpu.memory_space<vmem>>
      %dma_wait3A_95 = arith.constant 64 : i32
      %dma_wait3A_96 = arith.constant 0 : i32
      %dma_wait3A_97 = tpu.memref_slice %arg5[%add3A, %dma_wait3A_95, %dma_wait3A_96] : memref<32x125x80xi32, #tpu.memory_space<hbm>> -> memref<1x61x80xi32, #tpu.memory_space<hbm>>
      %dma_wait3A_98 = tpu.memref_squeeze %dma_wait3A_97 : memref<1x61x80xi32, #tpu.memory_space<hbm>> -> memref<61x80xi32, #tpu.memory_space<hbm>>
      %dma_wait3A_99 = arith.constant 64 : i32
      %dma_wait3A_100 = arith.constant 0 : i32
      %dma_wait3A_101 = tpu.memref_slice %arg10[%dma_wait3A_99, %dma_wait3A_100] : memref<128x80xi32, #tpu.memory_space<vmem>> -> memref<61x80xi32, #tpu.memory_space<vmem>>
      %dma_wait3A_102 = arith.constant 64 : i32
      %dma_wait3A_103 = arith.constant 0 : i32
      %dma_wait3A_104 = tpu.memref_slice %arg5[%add3A, %dma_wait3A_102, %dma_wait3A_103] : memref<32x125x80xi32, #tpu.memory_space<hbm>> -> memref<1x61x80xi32, #tpu.memory_space<hbm>>
      %dma_wait3A_105 = tpu.memref_squeeze %dma_wait3A_104 : memref<1x61x80xi32, #tpu.memory_space<hbm>> -> memref<61x80xi32, #tpu.memory_space<hbm>>
      tpu.wait_dma2 semaphore(%run_scoped3A_77 : memref<!tpu.dma_semaphore, #tpu.memory_space<semaphore_mem>>) src(%dma_wait3A_105 : memref<61x80xi32, #tpu.memory_space<hbm>>) dst(%dma_wait3A_101 : memref<61x80xi32, #tpu.memory_space<vmem>>)
      tpu.yield
    }) : () -> ()
    %dma_start3A_24 = arith.constant 0 : i32
    %dma_start3A_25 = arith.constant 0 : i32
    %dma_start3A_26 = tpu.memref_slice %arg10[%dma_start3A_24, %dma_start3A_25] : memref<128x80xi32, #tpu.memory_space<vmem>> -> memref<1x80xi32, #tpu.memory_space<vmem>>
    %dma_start3A_27 = tpu.memref_squeeze %dma_start3A_26 : memref<1x80xi32, #tpu.memory_space<vmem>> -> memref<80xi32, #tpu.memory_space<vmem>>
    %dma_start3A_28 = arith.constant 0 : i32
    %dma_start3A_29 = arith.constant 0 : i32
    %dma_start3A_30 = tpu.memref_slice %arg2[%dma_start3A_28, %dma_start3A_29] : memref<10000x128xf32, #tpu.memory_space<hbm>> -> memref<10000x128xf32, #tpu.memory_space<hbm>>
    tpu.enqueue_indirect_dma source(%dma_start3A_30 : memref<10000x128xf32, #tpu.memory_space<hbm>>) target(%arg11 : memref<80x128xf32, #tpu.memory_space<vmem>>) offsets(%dma_start3A_27 : memref<80xi32, #tpu.memory_space<vmem>>) semaphore(%arg17 : memref<!tpu.dma_semaphore, #tpu.memory_space<semaphore_mem>>)
    %dma_start3A_31 = arith.constant 0 : i32
    %dma_start3A_32 = arith.constant 0 : i32
    %dma_start3A_33 = tpu.memref_slice %arg10[%dma_start3A_31, %dma_start3A_32] : memref<128x80xi32, #tpu.memory_space<vmem>> -> memref<1x80xi32, #tpu.memory_space<vmem>>
    %dma_start3A_34 = tpu.memref_squeeze %dma_start3A_33 : memref<1x80xi32, #tpu.memory_space<vmem>> -> memref<80xi32, #tpu.memory_space<vmem>>
    %dma_start3A_35 = arith.constant 0 : i32
    %dma_start3A_36 = tpu.memref_slice %arg3[%dma_start3A_35] : memref<10240xf32, #tpu.memory_space<hbm>> -> memref<10240xf32, #tpu.memory_space<hbm>>
    tpu.enqueue_indirect_dma source(%dma_start3A_36 : memref<10240xf32, #tpu.memory_space<hbm>>) target(%arg13 : memref<80xf32, #tpu.memory_space<vmem>>) offsets(%dma_start3A_34 : memref<80xi32, #tpu.memory_space<vmem>>) semaphore(%arg19 : memref<!tpu.dma_semaphore, #tpu.memory_space<semaphore_mem>>)
    %scan3A_37 = arith.constant 0 : i32
    %scan3A_38 = arith.constant 0 : i32
    %scan3A_39 = arith.constant 30 : i32
    %scan3A_40 = arith.addi %scan3A_38, %scan3A_39 : i32
    %scan3A_41 = arith.constant 1 : i32
    scf.for %scan3A_77 = %scan3A_38 to %scan3A_40 step %scan3A_41  : i32 {
      %mul3A_78 = arith.constant 2 : i32
      %mul3A_79 = arith.muli %mul3A_78, %scan3A_77 : i32
      %add3A_80 = arith.constant 1 : i32
      %add3A_81 = arith.addi %mul3A_79, %add3A_80 : i32
      %dma_start3A_82 = arith.constant 0 : i32
      %dma_start3A_83 = tpu.memref_slice %arg10[%add3A_81, %dma_start3A_82] : memref<128x80xi32, #tpu.memory_space<vmem>> -> memref<1x80xi32, #tpu.memory_space<vmem>>
      %dma_start3A_84 = tpu.memref_squeeze %dma_start3A_83 : memref<1x80xi32, #tpu.memory_space<vmem>> -> memref<80xi32, #tpu.memory_space<vmem>>
      %dma_start3A_85 = arith.constant 0 : i32
      %dma_start3A_86 = arith.constant 0 : i32
      %dma_start3A_87 = tpu.memref_slice %arg2[%dma_start3A_85, %dma_start3A_86] : memref<10000x128xf32, #tpu.memory_space<hbm>> -> memref<10000x128xf32, #tpu.memory_space<hbm>>
      tpu.enqueue_indirect_dma source(%dma_start3A_87 : memref<10000x128xf32, #tpu.memory_space<hbm>>) target(%arg12 : memref<80x128xf32, #tpu.memory_space<vmem>>) offsets(%dma_start3A_84 : memref<80xi32, #tpu.memory_space<vmem>>) semaphore(%arg18 : memref<!tpu.dma_semaphore, #tpu.memory_space<semaphore_mem>>)
      %dma_start3A_88 = arith.constant 0 : i32
      %dma_start3A_89 = tpu.memref_slice %arg10[%add3A_81, %dma_start3A_88] : memref<128x80xi32, #tpu.memory_space<vmem>> -> memref<1x80xi32, #tpu.memory_space<vmem>>
      %dma_start3A_90 = tpu.memref_squeeze %dma_start3A_89 : memref<1x80xi32, #tpu.memory_space<vmem>> -> memref<80xi32, #tpu.memory_space<vmem>>
      %dma_start3A_91 = arith.constant 0 : i32
      %dma_start3A_92 = tpu.memref_slice %arg3[%dma_start3A_91] : memref<10240xf32, #tpu.memory_space<hbm>> -> memref<10240xf32, #tpu.memory_space<hbm>>
      tpu.enqueue_indirect_dma source(%dma_start3A_92 : memref<10240xf32, #tpu.memory_space<hbm>>) target(%arg14 : memref<80xf32, #tpu.memory_space<vmem>>) offsets(%dma_start3A_90 : memref<80xi32, #tpu.memory_space<vmem>>) semaphore(%arg20 : memref<!tpu.dma_semaphore, #tpu.memory_space<semaphore_mem>>)
      %dma_wait3A_93 = arith.constant 0 : i32
      %dma_wait3A_94 = arith.constant 0 : i32
      %dma_wait3A_95 = tpu.memref_slice %arg10[%dma_wait3A_93, %dma_wait3A_94] : memref<128x80xi32, #tpu.memory_space<vmem>> -> memref<1x80xi32, #tpu.memory_space<vmem>>
      %dma_wait3A_96 = tpu.memref_squeeze %dma_wait3A_95 : memref<1x80xi32, #tpu.memory_space<vmem>> -> memref<80xi32, #tpu.memory_space<vmem>>
      %dma_wait3A_97 = arith.constant 0 : i32
      %dma_wait3A_98 = arith.constant 0 : i32
      %dma_wait3A_99 = tpu.memref_slice %arg2[%dma_wait3A_97, %dma_wait3A_98] : memref<10000x128xf32, #tpu.memory_space<hbm>> -> memref<10000x128xf32, #tpu.memory_space<hbm>>
      tpu.wait_indirect_dma semaphore(%arg17 : memref<!tpu.dma_semaphore, #tpu.memory_space<semaphore_mem>>) src(%dma_wait3A_99 : memref<10000x128xf32, #tpu.memory_space<hbm>>) dst(%arg11 : memref<80x128xf32, #tpu.memory_space<vmem>>)
      %dma_wait3A_100 = arith.constant 0 : i32
      %dma_wait3A_101 = arith.constant 0 : i32
      %dma_wait3A_102 = tpu.memref_slice %arg10[%dma_wait3A_100, %dma_wait3A_101] : memref<128x80xi32, #tpu.memory_space<vmem>> -> memref<1x80xi32, #tpu.memory_space<vmem>>
      %dma_wait3A_103 = tpu.memref_squeeze %dma_wait3A_102 : memref<1x80xi32, #tpu.memory_space<vmem>> -> memref<80xi32, #tpu.memory_space<vmem>>
      %dma_wait3A_104 = arith.constant 0 : i32
      %dma_wait3A_105 = tpu.memref_slice %arg3[%dma_wait3A_104] : memref<10240xf32, #tpu.memory_space<hbm>> -> memref<10240xf32, #tpu.memory_space<hbm>>
      tpu.wait_indirect_dma semaphore(%arg19 : memref<!tpu.dma_semaphore, #tpu.memory_space<semaphore_mem>>) src(%dma_wait3A_105 : memref<10240xf32, #tpu.memory_space<hbm>>) dst(%arg13 : memref<80xf32, #tpu.memory_space<vmem>>)
      %add3A_106 = arith.constant 64 : i32
      %add3A_107 = arith.addi %add3A_106, %mul3A_79 : i32
      %dma_start3A_108 = arith.constant 0 : i32
      %dma_start3A_109 = tpu.memref_slice %arg10[%add3A_107, %dma_start3A_108] : memref<128x80xi32, #tpu.memory_space<vmem>> -> memref<1x80xi32, #tpu.memory_space<vmem>>
      %dma_start3A_110 = tpu.memref_squeeze %dma_start3A_109 : memref<1x80xi32, #tpu.memory_space<vmem>> -> memref<80xi32, #tpu.memory_space<vmem>>
      %dma_start3A_111 = arith.constant 0 : i32
      %dma_start3A_112 = tpu.memref_slice %arg16[%dma_start3A_111] : memref<10240xf32, #tpu.memory_space<vmem_shared>> -> memref<10240xf32, #tpu.memory_space<vmem_shared>>
      tpu.enqueue_indirect_dma source(%arg13 : memref<80xf32, #tpu.memory_space<vmem>>) target(%dma_start3A_112 : memref<10240xf32, #tpu.memory_space<vmem_shared>>) offsets(%dma_start3A_110 : memref<80xi32, #tpu.memory_space<vmem>>) semaphore(%arg19 : memref<!tpu.dma_semaphore, #tpu.memory_space<semaphore_mem>>) {add = true}
      %add3A_113 = arith.constant 64 : i32
      %add3A_114 = arith.addi %add3A_113, %mul3A_79 : i32
      "tpu.region"() ({
        %run_scoped3A_155 = tpu.sem_alloc : memref<!tpu.dma_semaphore, #tpu.memory_space<semaphore_mem>>
        %dma_start3A_156 = arith.constant 0 : i32
        %dma_start3A_157 = tpu.memref_slice %arg10[%add3A_114, %dma_start3A_156] : memref<128x80xi32, #tpu.memory_space<vmem>> -> memref<1x80xi32, #tpu.memory_space<vmem>>
        %dma_start3A_158 = tpu.memref_squeeze %dma_start3A_157 : memref<1x80xi32, #tpu.memory_space<vmem>> -> memref<80xi32, #tpu.memory_space<vmem>>
        %dma_start3A_159 = arith.constant 0 : i32
        %dma_start3A_160 = arith.constant 0 : i32
        %dma_start3A_161 = tpu.memref_slice %arg15[%dma_start3A_159, %dma_start3A_160] : memref<10240x128xf32, #tpu.memory_space<vmem_shared>> -> memref<10240x128xf32, #tpu.memory_space<vmem_shared>>
        tpu.enqueue_indirect_dma source(%arg11 : memref<80x128xf32, #tpu.memory_space<vmem>>) target(%dma_start3A_161 : memref<10240x128xf32, #tpu.memory_space<vmem_shared>>) offsets(%dma_start3A_158 : memref<80xi32, #tpu.memory_space<vmem>>) semaphore(%run_scoped3A_155 : memref<!tpu.dma_semaphore, #tpu.memory_space<semaphore_mem>>) {add = true}
        %dma_wait3A_162 = arith.constant 0 : i32
        %dma_wait3A_163 = tpu.memref_slice %arg10[%add3A_114, %dma_wait3A_162] : memref<128x80xi32, #tpu.memory_space<vmem>> -> memref<1x80xi32, #tpu.memory_space<vmem>>
        %dma_wait3A_164 = tpu.memref_squeeze %dma_wait3A_163 : memref<1x80xi32, #tpu.memory_space<vmem>> -> memref<80xi32, #tpu.memory_space<vmem>>
        %dma_wait3A_165 = arith.constant 0 : i32
        %dma_wait3A_166 = arith.constant 0 : i32
        %dma_wait3A_167 = tpu.memref_slice %arg15[%dma_wait3A_165, %dma_wait3A_166] : memref<10240x128xf32, #tpu.memory_space<vmem_shared>> -> memref<10240x128xf32, #tpu.memory_space<vmem_shared>>
        tpu.wait_indirect_dma semaphore(%run_scoped3A_155 : memref<!tpu.dma_semaphore, #tpu.memory_space<semaphore_mem>>) src(%arg11 : memref<80x128xf32, #tpu.memory_space<vmem>>) dst(%dma_wait3A_167 : memref<10240x128xf32, #tpu.memory_space<vmem_shared>>)
        tpu.yield
      }) : () -> ()
      %dma_wait3A_115 = arith.constant 0 : i32
      %dma_wait3A_116 = tpu.memref_slice %arg10[%add3A_107, %dma_wait3A_115] : memref<128x80xi32, #tpu.memory_space<vmem>> -> memref<1x80xi32, #tpu.memory_space<vmem>>
      %dma_wait3A_117 = tpu.memref_squeeze %dma_wait3A_116 : memref<1x80xi32, #tpu.memory_space<vmem>> -> memref<80xi32, #tpu.memory_space<vmem>>
      %dma_wait3A_118 = arith.constant 0 : i32
      %dma_wait3A_119 = tpu.memref_slice %arg16[%dma_wait3A_118] : memref<10240xf32, #tpu.memory_space<vmem_shared>> -> memref<10240xf32, #tpu.memory_space<vmem_shared>>
      tpu.wait_indirect_dma semaphore(%arg19 : memref<!tpu.dma_semaphore, #tpu.memory_space<semaphore_mem>>) src(%arg13 : memref<80xf32, #tpu.memory_space<vmem>>) dst(%dma_wait3A_119 : memref<10240xf32, #tpu.memory_space<vmem_shared>>)
      %add3A_120 = arith.constant 2 : i32
      %add3A_121 = arith.addi %mul3A_79, %add3A_120 : i32
      %lt3A = arith.constant 61 : i32
      %lt3A_122 = arith.cmpi slt, %add3A_121, %lt3A : i32
      %convert_element_type3A_123 = arith.extui %lt3A_122 : i1 to i32
      %cond3A_124 = arith.constant 0 : i32
      %cond3A_125 = arith.cmpi ne, %convert_element_type3A_123, %cond3A_124 : i32
      scf.if %cond3A_125 {
        %add3A_155 = arith.constant 2 : i32
        %add3A_156 = arith.addi %mul3A_79, %add3A_155 : i32
        %dma_start3A_157 = arith.constant 0 : i32
        %dma_start3A_158 = tpu.memref_slice %arg10[%add3A_156, %dma_start3A_157] : memref<128x80xi32, #tpu.memory_space<vmem>> -> memref<1x80xi32, #tpu.memory_space<vmem>>
        %dma_start3A_159 = tpu.memref_squeeze %dma_start3A_158 : memref<1x80xi32, #tpu.memory_space<vmem>> -> memref<80xi32, #tpu.memory_space<vmem>>
        %dma_start3A_160 = arith.constant 0 : i32
        %dma_start3A_161 = arith.constant 0 : i32
        %dma_start3A_162 = tpu.memref_slice %arg2[%dma_start3A_160, %dma_start3A_161] : memref<10000x128xf32, #tpu.memory_space<hbm>> -> memref<10000x128xf32, #tpu.memory_space<hbm>>
        tpu.enqueue_indirect_dma source(%dma_start3A_162 : memref<10000x128xf32, #tpu.memory_space<hbm>>) target(%arg11 : memref<80x128xf32, #tpu.memory_space<vmem>>) offsets(%dma_start3A_159 : memref<80xi32, #tpu.memory_space<vmem>>) semaphore(%arg17 : memref<!tpu.dma_semaphore, #tpu.memory_space<semaphore_mem>>)
        %dma_start3A_163 = arith.constant 0 : i32
        %dma_start3A_164 = tpu.memref_slice %arg10[%add3A_156, %dma_start3A_163] : memref<128x80xi32, #tpu.memory_space<vmem>> -> memref<1x80xi32, #tpu.memory_space<vmem>>
        %dma_start3A_165 = tpu.memref_squeeze %dma_start3A_164 : memref<1x80xi32, #tpu.memory_space<vmem>> -> memref<80xi32, #tpu.memory_space<vmem>>
        %dma_start3A_166 = arith.constant 0 : i32
        %dma_start3A_167 = tpu.memref_slice %arg3[%dma_start3A_166] : memref<10240xf32, #tpu.memory_space<hbm>> -> memref<10240xf32, #tpu.memory_space<hbm>>
        tpu.enqueue_indirect_dma source(%dma_start3A_167 : memref<10240xf32, #tpu.memory_space<hbm>>) target(%arg13 : memref<80xf32, #tpu.memory_space<vmem>>) offsets(%dma_start3A_165 : memref<80xi32, #tpu.memory_space<vmem>>) semaphore(%arg19 : memref<!tpu.dma_semaphore, #tpu.memory_space<semaphore_mem>>)
      } else {
      }
      %dma_wait3A_126 = arith.constant 0 : i32
      %dma_wait3A_127 = arith.constant 0 : i32
      %dma_wait3A_128 = tpu.memref_slice %arg10[%dma_wait3A_126, %dma_wait3A_127] : memref<128x80xi32, #tpu.memory_space<vmem>> -> memref<1x80xi32, #tpu.memory_space<vmem>>
      %dma_wait3A_129 = tpu.memref_squeeze %dma_wait3A_128 : memref<1x80xi32, #tpu.memory_space<vmem>> -> memref<80xi32, #tpu.memory_space<vmem>>
      %dma_wait3A_130 = arith.constant 0 : i32
      %dma_wait3A_131 = arith.constant 0 : i32
      %dma_wait3A_132 = tpu.memref_slice %arg2[%dma_wait3A_130, %dma_wait3A_131] : memref<10000x128xf32, #tpu.memory_space<hbm>> -> memref<10000x128xf32, #tpu.memory_space<hbm>>
      tpu.wait_indirect_dma semaphore(%arg18 : memref<!tpu.dma_semaphore, #tpu.memory_space<semaphore_mem>>) src(%dma_wait3A_132 : memref<10000x128xf32, #tpu.memory_space<hbm>>) dst(%arg12 : memref<80x128xf32, #tpu.memory_space<vmem>>)
      %dma_wait3A_133 = arith.constant 0 : i32
      %dma_wait3A_134 = arith.constant 0 : i32
      %dma_wait3A_135 = tpu.memref_slice %arg10[%dma_wait3A_133, %dma_wait3A_134] : memref<128x80xi32, #tpu.memory_space<vmem>> -> memref<1x80xi32, #tpu.memory_space<vmem>>
      %dma_wait3A_136 = tpu.memref_squeeze %dma_wait3A_135 : memref<1x80xi32, #tpu.memory_space<vmem>> -> memref<80xi32, #tpu.memory_space<vmem>>
      %dma_wait3A_137 = arith.constant 0 : i32
      %dma_wait3A_138 = tpu.memref_slice %arg3[%dma_wait3A_137] : memref<10240xf32, #tpu.memory_space<hbm>> -> memref<10240xf32, #tpu.memory_space<hbm>>
      tpu.wait_indirect_dma semaphore(%arg20 : memref<!tpu.dma_semaphore, #tpu.memory_space<semaphore_mem>>) src(%dma_wait3A_138 : memref<10240xf32, #tpu.memory_space<hbm>>) dst(%arg14 : memref<80xf32, #tpu.memory_space<vmem>>)
      %add3A_139 = arith.constant 1 : i32
      %add3A_140 = arith.addi %mul3A_79, %add3A_139 : i32
      %add3A_141 = arith.constant 64 : i32
      %add3A_142 = arith.addi %add3A_141, %add3A_140 : i32
      %dma_start3A_143 = arith.constant 0 : i32
      %dma_start3A_144 = tpu.memref_slice %arg10[%add3A_142, %dma_start3A_143] : memref<128x80xi32, #tpu.memory_space<vmem>> -> memref<1x80xi32, #tpu.memory_space<vmem>>
      %dma_start3A_145 = tpu.memref_squeeze %dma_start3A_144 : memref<1x80xi32, #tpu.memory_space<vmem>> -> memref<80xi32, #tpu.memory_space<vmem>>
      %dma_start3A_146 = arith.constant 0 : i32
      %dma_start3A_147 = tpu.memref_slice %arg16[%dma_start3A_146] : memref<10240xf32, #tpu.memory_space<vmem_shared>> -> memref<10240xf32, #tpu.memory_space<vmem_shared>>
      tpu.enqueue_indirect_dma source(%arg14 : memref<80xf32, #tpu.memory_space<vmem>>) target(%dma_start3A_147 : memref<10240xf32, #tpu.memory_space<vmem_shared>>) offsets(%dma_start3A_145 : memref<80xi32, #tpu.memory_space<vmem>>) semaphore(%arg20 : memref<!tpu.dma_semaphore, #tpu.memory_space<semaphore_mem>>) {add = true}
      %add3A_148 = arith.constant 64 : i32
      %add3A_149 = arith.addi %add3A_148, %add3A_140 : i32
      "tpu.region"() ({
        %run_scoped3A_155 = tpu.sem_alloc : memref<!tpu.dma_semaphore, #tpu.memory_space<semaphore_mem>>
        %dma_start3A_156 = arith.constant 0 : i32
        %dma_start3A_157 = tpu.memref_slice %arg10[%add3A_149, %dma_start3A_156] : memref<128x80xi32, #tpu.memory_space<vmem>> -> memref<1x80xi32, #tpu.memory_space<vmem>>
        %dma_start3A_158 = tpu.memref_squeeze %dma_start3A_157 : memref<1x80xi32, #tpu.memory_space<vmem>> -> memref<80xi32, #tpu.memory_space<vmem>>
        %dma_start3A_159 = arith.constant 0 : i32
        %dma_start3A_160 = arith.constant 0 : i32
        %dma_start3A_161 = tpu.memref_slice %arg15[%dma_start3A_159, %dma_start3A_160] : memref<10240x128xf32, #tpu.memory_space<vmem_shared>> -> memref<10240x128xf32, #tpu.memory_space<vmem_shared>>
        tpu.enqueue_indirect_dma source(%arg12 : memref<80x128xf32, #tpu.memory_space<vmem>>) target(%dma_start3A_161 : memref<10240x128xf32, #tpu.memory_space<vmem_shared>>) offsets(%dma_start3A_158 : memref<80xi32, #tpu.memory_space<vmem>>) semaphore(%run_scoped3A_155 : memref<!tpu.dma_semaphore, #tpu.memory_space<semaphore_mem>>) {add = true}
        %dma_wait3A_162 = arith.constant 0 : i32
        %dma_wait3A_163 = tpu.memref_slice %arg10[%add3A_149, %dma_wait3A_162] : memref<128x80xi32, #tpu.memory_space<vmem>> -> memref<1x80xi32, #tpu.memory_space<vmem>>
        %dma_wait3A_164 = tpu.memref_squeeze %dma_wait3A_163 : memref<1x80xi32, #tpu.memory_space<vmem>> -> memref<80xi32, #tpu.memory_space<vmem>>
        %dma_wait3A_165 = arith.constant 0 : i32
        %dma_wait3A_166 = arith.constant 0 : i32
        %dma_wait3A_167 = tpu.memref_slice %arg15[%dma_wait3A_165, %dma_wait3A_166] : memref<10240x128xf32, #tpu.memory_space<vmem_shared>> -> memref<10240x128xf32, #tpu.memory_space<vmem_shared>>
        tpu.wait_indirect_dma semaphore(%run_scoped3A_155 : memref<!tpu.dma_semaphore, #tpu.memory_space<semaphore_mem>>) src(%arg12 : memref<80x128xf32, #tpu.memory_space<vmem>>) dst(%dma_wait3A_167 : memref<10240x128xf32, #tpu.memory_space<vmem_shared>>)
        tpu.yield
      }) : () -> ()
      %dma_wait3A_150 = arith.constant 0 : i32
      %dma_wait3A_151 = tpu.memref_slice %arg10[%add3A_142, %dma_wait3A_150] : memref<128x80xi32, #tpu.memory_space<vmem>> -> memref<1x80xi32, #tpu.memory_space<vmem>>
      %dma_wait3A_152 = tpu.memref_squeeze %dma_wait3A_151 : memref<1x80xi32, #tpu.memory_space<vmem>> -> memref<80xi32, #tpu.memory_space<vmem>>
      %dma_wait3A_153 = arith.constant 0 : i32
      %dma_wait3A_154 = tpu.memref_slice %arg16[%dma_wait3A_153] : memref<10240xf32, #tpu.memory_space<vmem_shared>> -> memref<10240xf32, #tpu.memory_space<vmem_shared>>
      tpu.wait_indirect_dma semaphore(%arg20 : memref<!tpu.dma_semaphore, #tpu.memory_space<semaphore_mem>>) src(%arg14 : memref<80xf32, #tpu.memory_space<vmem>>) dst(%dma_wait3A_154 : memref<10240xf32, #tpu.memory_space<vmem_shared>>)
    }
    %scan3A_42 = arith.constant 30 : i32
    %dma_wait3A = arith.constant 0 : i32
    %dma_wait3A_43 = arith.constant 0 : i32
    %dma_wait3A_44 = tpu.memref_slice %arg10[%dma_wait3A, %dma_wait3A_43] : memref<128x80xi32, #tpu.memory_space<vmem>> -> memref<1x80xi32, #tpu.memory_space<vmem>>
    %dma_wait3A_45 = tpu.memref_squeeze %dma_wait3A_44 : memref<1x80xi32, #tpu.memory_space<vmem>> -> memref<80xi32, #tpu.memory_space<vmem>>
    %dma_wait3A_46 = arith.constant 0 : i32
    %dma_wait3A_47 = arith.constant 0 : i32
    %dma_wait3A_48 = tpu.memref_slice %arg2[%dma_wait3A_46, %dma_wait3A_47] : memref<10000x128xf32, #tpu.memory_space<hbm>> -> memref<10000x128xf32, #tpu.memory_space<hbm>>
    tpu.wait_indirect_dma semaphore(%arg17 : memref<!tpu.dma_semaphore, #tpu.memory_space<semaphore_mem>>) src(%dma_wait3A_48 : memref<10000x128xf32, #tpu.memory_space<hbm>>) dst(%arg11 : memref<80x128xf32, #tpu.memory_space<vmem>>)
    %dma_wait3A_49 = arith.constant 0 : i32
    %dma_wait3A_50 = arith.constant 0 : i32
    %dma_wait3A_51 = tpu.memref_slice %arg10[%dma_wait3A_49, %dma_wait3A_50] : memref<128x80xi32, #tpu.memory_space<vmem>> -> memref<1x80xi32, #tpu.memory_space<vmem>>
    %dma_wait3A_52 = tpu.memref_squeeze %dma_wait3A_51 : memref<1x80xi32, #tpu.memory_space<vmem>> -> memref<80xi32, #tpu.memory_space<vmem>>
    %dma_wait3A_53 = arith.constant 0 : i32
    %dma_wait3A_54 = tpu.memref_slice %arg3[%dma_wait3A_53] : memref<10240xf32, #tpu.memory_space<hbm>> -> memref<10240xf32, #tpu.memory_space<hbm>>
    tpu.wait_indirect_dma semaphore(%arg19 : memref<!tpu.dma_semaphore, #tpu.memory_space<semaphore_mem>>) src(%dma_wait3A_54 : memref<10240xf32, #tpu.memory_space<hbm>>) dst(%arg13 : memref<80xf32, #tpu.memory_space<vmem>>)
    %dma_start3A_55 = arith.constant 124 : i32
    %dma_start3A_56 = arith.constant 0 : i32
    %dma_start3A_57 = tpu.memref_slice %arg10[%dma_start3A_55, %dma_start3A_56] : memref<128x80xi32, #tpu.memory_space<vmem>> -> memref<1x80xi32, #tpu.memory_space<vmem>>
    %dma_start3A_58 = tpu.memref_squeeze %dma_start3A_57 : memref<1x80xi32, #tpu.memory_space<vmem>> -> memref<80xi32, #tpu.memory_space<vmem>>
    %dma_start3A_59 = arith.constant 0 : i32
    %dma_start3A_60 = tpu.memref_slice %arg16[%dma_start3A_59] : memref<10240xf32, #tpu.memory_space<vmem_shared>> -> memref<10240xf32, #tpu.memory_space<vmem_shared>>
    tpu.enqueue_indirect_dma source(%arg13 : memref<80xf32, #tpu.memory_space<vmem>>) target(%dma_start3A_60 : memref<10240xf32, #tpu.memory_space<vmem_shared>>) offsets(%dma_start3A_58 : memref<80xi32, #tpu.memory_space<vmem>>) semaphore(%arg19 : memref<!tpu.dma_semaphore, #tpu.memory_space<semaphore_mem>>) {add = true}
    %run_scoped3A = arith.constant 124 : i32
    "tpu.region"() ({
      %run_scoped3A_77 = tpu.sem_alloc : memref<!tpu.dma_semaphore, #tpu.memory_space<semaphore_mem>>
      %dma_start3A_78 = arith.constant 0 : i32
      %dma_start3A_79 = tpu.memref_slice %arg10[%run_scoped3A, %dma_start3A_78] : memref<128x80xi32, #tpu.memory_space<vmem>> -> memref<1x80xi32, #tpu.memory_space<vmem>>
      %dma_start3A_80 = tpu.memref_squeeze %dma_start3A_79 : memref<1x80xi32, #tpu.memory_space<vmem>> -> memref<80xi32, #tpu.memory_space<vmem>>
      %dma_start3A_81 = arith.constant 0 : i32
      %dma_start3A_82 = arith.constant 0 : i32
      %dma_start3A_83 = tpu.memref_slice %arg15[%dma_start3A_81, %dma_start3A_82] : memref<10240x128xf32, #tpu.memory_space<vmem_shared>> -> memref<10240x128xf32, #tpu.memory_space<vmem_shared>>
      tpu.enqueue_indirect_dma source(%arg11 : memref<80x128xf32, #tpu.memory_space<vmem>>) target(%dma_start3A_83 : memref<10240x128xf32, #tpu.memory_space<vmem_shared>>) offsets(%dma_start3A_80 : memref<80xi32, #tpu.memory_space<vmem>>) semaphore(%run_scoped3A_77 : memref<!tpu.dma_semaphore, #tpu.memory_space<semaphore_mem>>) {add = true}
      %dma_wait3A_84 = arith.constant 0 : i32
      %dma_wait3A_85 = tpu.memref_slice %arg10[%run_scoped3A, %dma_wait3A_84] : memref<128x80xi32, #tpu.memory_space<vmem>> -> memref<1x80xi32, #tpu.memory_space<vmem>>
      %dma_wait3A_86 = tpu.memref_squeeze %dma_wait3A_85 : memref<1x80xi32, #tpu.memory_space<vmem>> -> memref<80xi32, #tpu.memory_space<vmem>>
      %dma_wait3A_87 = arith.constant 0 : i32
      %dma_wait3A_88 = arith.constant 0 : i32
      %dma_wait3A_89 = tpu.memref_slice %arg15[%dma_wait3A_87, %dma_wait3A_88] : memref<10240x128xf32, #tpu.memory_space<vmem_shared>> -> memref<10240x128xf32, #tpu.memory_space<vmem_shared>>
      tpu.wait_indirect_dma semaphore(%run_scoped3A_77 : memref<!tpu.dma_semaphore, #tpu.memory_space<semaphore_mem>>) src(%arg11 : memref<80x128xf32, #tpu.memory_space<vmem>>) dst(%dma_wait3A_89 : memref<10240x128xf32, #tpu.memory_space<vmem_shared>>)
      tpu.yield
    }) : () -> ()
    %dma_wait3A_61 = arith.constant 124 : i32
    %dma_wait3A_62 = arith.constant 0 : i32
    %dma_wait3A_63 = tpu.memref_slice %arg10[%dma_wait3A_61, %dma_wait3A_62] : memref<128x80xi32, #tpu.memory_space<vmem>> -> memref<1x80xi32, #tpu.memory_space<vmem>>
    %dma_wait3A_64 = tpu.memref_squeeze %dma_wait3A_63 : memref<1x80xi32, #tpu.memory_space<vmem>> -> memref<80xi32, #tpu.memory_space<vmem>>
    %dma_wait3A_65 = arith.constant 0 : i32
    %dma_wait3A_66 = tpu.memref_slice %arg16[%dma_wait3A_65] : memref<10240xf32, #tpu.memory_space<vmem_shared>> -> memref<10240xf32, #tpu.memory_space<vmem_shared>>
    tpu.wait_indirect_dma semaphore(%arg19 : memref<!tpu.dma_semaphore, #tpu.memory_space<semaphore_mem>>) src(%arg13 : memref<80xf32, #tpu.memory_space<vmem>>) dst(%dma_wait3A_66 : memref<10240xf32, #tpu.memory_space<vmem_shared>>)
    %barrier3A_67 = arith.constant 0 : index
    tpu.barrier barrier_id(%barrier3A_67)
    %mul3A_68 = arith.constant 640 : i32
    %mul3A_69 = arith.muli %arg1, %mul3A_68 : i32
    %mul3A_70 = arith.constant 640 : i32
    %mul3A_71 = arith.muli %arg1, %mul3A_70 : i32
    "tpu.region"() ({
      %run_scoped3A_77 = tpu.sem_alloc : memref<!tpu.dma_semaphore, #tpu.memory_space<semaphore_mem>>
      %dma_start3A_78 = arith.constant 0 : i32
      %dma_start3A_79 = tpu.memref_slice %arg8[%arg0, %mul3A_71, %dma_start3A_78] : memref<2x10240x128xf32, #tpu.memory_space<hbm>> -> memref<1x640x128xf32, #tpu.memory_space<hbm>>
      %dma_start3A_80 = tpu.memref_squeeze %dma_start3A_79 : memref<1x640x128xf32, #tpu.memory_space<hbm>> -> memref<640x128xf32, #tpu.memory_space<hbm>>
      %dma_start3A_81 = arith.constant 0 : i32
      %dma_start3A_82 = tpu.memref_slice %arg15[%mul3A_69, %dma_start3A_81] : memref<10240x128xf32, #tpu.memory_space<vmem_shared>> -> memref<640x128xf32, #tpu.memory_space<vmem_shared>>
      tpu.enqueue_dma source(%dma_start3A_82 : memref<640x128xf32, #tpu.memory_space<vmem_shared>>) target(%dma_start3A_80 : memref<640x128xf32, #tpu.memory_space<hbm>>) target_semaphore(%run_scoped3A_77 : memref<!tpu.dma_semaphore, #tpu.memory_space<semaphore_mem>>)
      %dma_wait3A_83 = arith.constant 0 : i32
      %dma_wait3A_84 = tpu.memref_slice %arg8[%arg0, %mul3A_71, %dma_wait3A_83] : memref<2x10240x128xf32, #tpu.memory_space<hbm>> -> memref<1x640x128xf32, #tpu.memory_space<hbm>>
      %dma_wait3A_85 = tpu.memref_squeeze %dma_wait3A_84 : memref<1x640x128xf32, #tpu.memory_space<hbm>> -> memref<640x128xf32, #tpu.memory_space<hbm>>
      %dma_wait3A_86 = arith.constant 0 : i32
      %dma_wait3A_87 = tpu.memref_slice %arg15[%mul3A_69, %dma_wait3A_86] : memref<10240x128xf32, #tpu.memory_space<vmem_shared>> -> memref<640x128xf32, #tpu.memory_space<vmem_shared>>
      tpu.wait_dma2 semaphore(%run_scoped3A_77 : memref<!tpu.dma_semaphore, #tpu.memory_space<semaphore_mem>>) src(%dma_wait3A_87 : memref<640x128xf32, #tpu.memory_space<vmem_shared>>) dst(%dma_wait3A_85 : memref<640x128xf32, #tpu.memory_space<hbm>>)
      tpu.yield
    }) : () -> ()
    %eq3A_72 = arith.constant 0 : i32
    %eq3A_73 = arith.cmpi eq, %arg1, %eq3A_72 : i32
    %convert_element_type3A_74 = arith.extui %eq3A_73 : i1 to i32
    %cond3A_75 = arith.constant 0 : i32
    %cond3A_76 = arith.cmpi ne, %convert_element_type3A_74, %cond3A_75 : i32
    scf.if %cond3A_76 {
      "tpu.region"() ({
        %run_scoped3A_77 = tpu.sem_alloc : memref<!tpu.dma_semaphore, #tpu.memory_space<semaphore_mem>>
        %dma_start3A_78 = arith.constant 0 : i32
        %dma_start3A_79 = tpu.memref_slice %arg9[%arg0, %dma_start3A_78] : memref<2x10240xf32, #tpu.memory_space<hbm>> -> memref<1x10240xf32, #tpu.memory_space<hbm>>
        %dma_start3A_80 = tpu.memref_squeeze %dma_start3A_79 : memref<1x10240xf32, #tpu.memory_space<hbm>> -> memref<10240xf32, #tpu.memory_space<hbm>>
        tpu.enqueue_dma source(%arg16 : memref<10240xf32, #tpu.memory_space<vmem_shared>>) target(%dma_start3A_80 : memref<10240xf32, #tpu.memory_space<hbm>>) target_semaphore(%run_scoped3A_77 : memref<!tpu.dma_semaphore, #tpu.memory_space<semaphore_mem>>)
        %dma_wait3A_81 = arith.constant 0 : i32
        %dma_wait3A_82 = tpu.memref_slice %arg9[%arg0, %dma_wait3A_81] : memref<2x10240xf32, #tpu.memory_space<hbm>> -> memref<1x10240xf32, #tpu.memory_space<hbm>>
        %dma_wait3A_83 = tpu.memref_squeeze %dma_wait3A_82 : memref<1x10240xf32, #tpu.memory_space<hbm>> -> memref<10240xf32, #tpu.memory_space<hbm>>
        tpu.wait_dma2 semaphore(%run_scoped3A_77 : memref<!tpu.dma_semaphore, #tpu.memory_space<semaphore_mem>>) src(%arg16 : memref<10240xf32, #tpu.memory_space<vmem_shared>>) dst(%dma_wait3A_83 : memref<10240xf32, #tpu.memory_space<hbm>>)
        tpu.yield
      }) : () -> ()
    } else {
    }
    return
  }
}

module attributes {stable_mosaic.version = 14 : i64} {
  func.func @_att_body(%arg0: i32, %arg1: memref<512x128xf32, #tpu.memory_space<vmem>>, %arg2: memref<8x128xf32, #tpu.memory_space<vmem>>, %arg3: memref<1x1xf32, #tpu.memory_space<smem>>, %arg4: memref<512x128xf32, #tpu.memory_space<vmem>>) attributes {dimension_semantics = [#tpu.dimension_semantics<arbitrary>], iteration_bounds = array<i64: 20>, scalar_prefetch = 0 : i64, scratch_operands = 0 : i64, tpu.core_type = #tpu.core_type<tc>, window_params = [{transform_indices = @transform_0, window_bounds = array<i64: 512, 128>}, {pipeline_mode = #tpu.pipeline_mode<synchronous>, transform_indices = @transform_1, window_bounds = array<i64: 8, 128>}, {transform_indices = @transform_2, window_bounds = array<i64: 1, 1>}, {transform_indices = @transform_3, window_bounds = array<i64: 512, 128>}]} {
    %get3A = arith.constant 0 : index
    %get3A_0 = arith.constant 0 : index
    %get3A_1 = vector.load %arg1[%get3A, %get3A_0] : memref<512x128xf32, #tpu.memory_space<vmem>>, vector<512x128xf32>
    %convert_element_type3A = arith.truncf %get3A_1 : vector<512x128xf32> to vector<512x128xbf16>
    %convert_element_type3A_2 = arith.extf %convert_element_type3A : vector<512x128xbf16> to vector<512x128xf32>
    %get3A_3 = arith.constant 0 : index
    %get3A_4 = arith.constant 0 : index
    %get3A_5 = vector.load %arg2[%get3A_3, %get3A_4] : memref<8x128xf32, #tpu.memory_space<vmem>>, vector<1x128xf32>
    %convert_element_type3A_6 = arith.truncf %get3A_5 : vector<1x128xf32> to vector<1x128xbf16>
    %convert_element_type3A_7 = arith.extf %convert_element_type3A_6 : vector<1x128xbf16> to vector<1x128xf32>
    %mul3A = vector.broadcast %convert_element_type3A_7 : vector<1x128xf32> to vector<512x128xf32>
    %mul3A_8 = arith.mulf %convert_element_type3A_2, %mul3A : vector<512x128xf32>
    %reduce_sum3A = arith.constant dense<0.000000e+00> : vector<512xf32>
    %reduce_sum3A_9 = vector.multi_reduction <add>, %mul3A_8, %reduce_sum3A [1] : vector<512x128xf32> to vector<512xf32>
    %broadcast_in_dim3A = vector.shape_cast %reduce_sum3A_9 : vector<512xf32> to vector<512x1xf32>
    %get3A_10 = arith.constant 0 : index
    %get3A_11 = arith.constant 0 : index
    %get3A_12 = memref.load %arg3[%get3A_10, %get3A_11] : memref<1x1xf32, #tpu.memory_space<smem>>
    %add3A = vector.broadcast %get3A_12 : f32 to vector<512x1xf32>
    %add3A_13 = arith.addf %broadcast_in_dim3A, %add3A : vector<512x1xf32>
    %broadcast_in_dim3A_14 = vector.shape_cast %add3A_13 : vector<512x1xf32> to vector<512x1xf32>
    %broadcast_in_dim3A_15 = vector.broadcast %broadcast_in_dim3A_14 : vector<512x1xf32> to vector<512x128xf32>
    %swap3A = arith.constant 0 : index
    %swap3A_16 = arith.constant 0 : index
    %swap3A_17 = vector.load %arg4[%swap3A, %swap3A_16] : memref<512x128xf32, #tpu.memory_space<vmem>>, vector<512x128xf32>
    tpu.vector_store %arg4[%swap3A, %swap3A_16], %broadcast_in_dim3A_15 {strides = array<i32>} : memref<512x128xf32, #tpu.memory_space<vmem>>, vector<512x128xf32>,
    return
  }
  func.func @transform_0(%arg0: i32) -> (i32, i32) {
    %c0_i32 = arith.constant 0 : i32
    %c0_i32_0 = arith.constant 0 : i32
    return %arg0, %c0_i32 : i32, i32
  }
  func.func @transform_1(%arg0: i32) -> (i32, i32) {
    %c0_i32 = arith.constant 0 : i32
    %c0_i32_0 = arith.constant 0 : i32
    %c0_i32_1 = arith.constant 0 : i32
    return %c0_i32, %c0_i32_0 : i32, i32
  }
  func.func @transform_2(%arg0: i32) -> (i32, i32) {
    %c0_i32 = arith.constant 0 : i32
    %c0_i32_0 = arith.constant 0 : i32
    %c0_i32_1 = arith.constant 0 : i32
    return %c0_i32, %c0_i32_0 : i32, i32
  }
  func.func @transform_3(%arg0: i32) -> (i32, i32) {
    %c0_i32 = arith.constant 0 : i32
    %c0_i32_0 = arith.constant 0 : i32
    return %arg0, %c0_i32 : i32, i32
  }
}

module attributes {stable_mosaic.version = 14 : i64} {
  func.func @_combine_body(%arg0: i32, %arg1: memref<2x512x128xf32, #tpu.memory_space<vmem>>, %arg2: memref<512x128xf32, #tpu.memory_space<vmem>>, %arg3: memref<512x128xf32, #tpu.memory_space<vmem>>) attributes {dimension_semantics = [#tpu.dimension_semantics<arbitrary>], iteration_bounds = array<i64: 20>, scalar_prefetch = 0 : i64, scratch_operands = 0 : i64, tpu.core_type = #tpu.core_type<tc>, window_params = [{transform_indices = @transform_0, window_bounds = array<i64: 2, 512, 128>}, {transform_indices = @transform_1, window_bounds = array<i64: 512, 128>}, {transform_indices = @transform_2, window_bounds = array<i64: 512, 128>}]} {
    %get3A = arith.constant 0 : index
    %get3A_0 = arith.constant 0 : index
    %get3A_1 = arith.constant 0 : index
    %get3A_2 = vector.load %arg1[%get3A, %get3A_0, %get3A_1] : memref<2x512x128xf32, #tpu.memory_space<vmem>>, vector<1x512x128xf32>
    %get3A_3 = vector.shape_cast %get3A_2 : vector<1x512x128xf32> to vector<512x128xf32>
    %get3A_4 = arith.constant 1 : index
    %get3A_5 = arith.constant 0 : index
    %get3A_6 = arith.constant 0 : index
    %get3A_7 = vector.load %arg1[%get3A_4, %get3A_5, %get3A_6] : memref<2x512x128xf32, #tpu.memory_space<vmem>>, vector<1x512x128xf32>
    %get3A_8 = vector.shape_cast %get3A_7 : vector<1x512x128xf32> to vector<512x128xf32>
    %add3A = arith.addf %get3A_3, %get3A_8 : vector<512x128xf32>
    %get3A_9 = arith.constant 0 : index
    %get3A_10 = arith.constant 0 : index
    %get3A_11 = vector.load %arg2[%get3A_9, %get3A_10] : memref<512x128xf32, #tpu.memory_space<vmem>>, vector<512x128xf32>
    %add3A_12 = arith.constant 9.99999993E-9 : f32
    %add3A_13 = vector.broadcast %add3A_12 : f32 to vector<512x128xf32>
    %add3A_14 = arith.addf %get3A_11, %add3A_13 : vector<512x128xf32>
    %div3A = arith.divf %add3A, %add3A_14 : vector<512x128xf32>
    %swap3A = arith.constant 0 : index
    %swap3A_15 = arith.constant 0 : index
    %swap3A_16 = vector.load %arg3[%swap3A, %swap3A_15] : memref<512x128xf32, #tpu.memory_space<vmem>>, vector<512x128xf32>
    tpu.vector_store %arg3[%swap3A, %swap3A_15], %div3A {strides = array<i32>} : memref<512x128xf32, #tpu.memory_space<vmem>>, vector<512x128xf32>,
    return
  }
  func.func @transform_0(%arg0: i32) -> (i32, i32, i32) {
    %c0_i32 = arith.constant 0 : i32
    %c0_i32_0 = arith.constant 0 : i32
    %c0_i32_1 = arith.constant 0 : i32
    return %c0_i32, %arg0, %c0_i32_0 : i32, i32, i32
  }
  func.func @transform_1(%arg0: i32) -> (i32, i32) {
    %c0_i32 = arith.constant 0 : i32
    %c0_i32_0 = arith.constant 0 : i32
    return %arg0, %c0_i32 : i32, i32
  }
  func.func @transform_2(%arg0: i32) -> (i32, i32) {
    %c0_i32 = arith.constant 0 : i32
    %c0_i32_0 = arith.constant 0 : i32
    return %arg0, %c0_i32 : i32, i32
  }
}

</mosaic_0001>

<sc_bundles>
// kernel: kernel.5.cloned.1.call-start
scs
__scs_entry_jumppad:
0x0: {  	(pc) =	sbr.rel $0x88, $3  }
0x1: {  	(tag) =	ssettag $0x0;
	lr =	simm.s32 $0x1  }
0x2: {  	[smem:$0x3F9D] =	sst lr;
	_ =	strace $0xD0000000  }
0x3: {  	_ = 	snop  }
0x4: {  	_ = 	snop  }
0x5: {  	_ = 	snop  }
0x6: {  	_ = 	snop  }
0x7: {  	_ = 	snop  }
__scs_overlays_trampoline_lowered:
0x8: {  	[smem:$0x3FAC] =	sst s0  }
0x9: {  	[smem:$0x3FAD] =	sst s1  }
0xa: {  	[smem:$0x3FAE] =	sst s2  }
0xb: {  	[smem:$0x3FAF] =	sst s3  }
0xc: {  	[smem:$0x3FB0] =	sst s4  }
0xd: {  	[smem:$0x3FB1] =	sst s5  }
0xe: {  	[smem:$0x3FB2] =	sst s6  }
0xf: {  	[smem:$0x3FB3] =	sst s7  }
0x10: {  	[smem:$0x3FB4] =	sst s8  }
0x11: {  	[smem:$0x3FB5] =	sst s9;
	s0 =	simm.s32 @!p0 $0x0  }
0x12: {  	s1 =	sld [smem:$0x3F9B];
	s0 =	simm.s32 @p0 $0x1  }
0x13: {  	[smem:$0x3FB6] =	sst s0;
	s0 =	simm.s32 @!p1 $0x0  }
0x14: {  	s2 =	sld [smem:$0x3F9A];
	s0 =	simm.s32 @p1 $0x1  }
0x15: {  	[smem:$0x3FB7] =	sst s0;
	s0 =	simm.s32 @!p2 $0x0  }
0x16: {  	s3 =	sld [smem:$0x3FDB];
	s0 =	simm.s32 @p2 $0x1  }
0x17: {  	s4 =	simm.s32 $0x1BF5;
	[smem:$0x3FB9] =	sst s0  }
0x18: {  	s0 =	sld [smem:$0x3F9C];
	_ =	swait.ge [sflag:s4], $0x0  }
0x19: {  	s7 =	sld [smem:$0x3F9D]  }
0x1a: {  	s8 =	sadd.s32 $0xFFFFE003, lr  }
0x1b: {  	s9 =	sadd.s32 $0xFFFFFEF7, lr;
	s5 =	simm.s32 $0xFFFFFFFF;
	p2 =	slt.u32 s8, $0xFFFFF086  }
0x1c: {  	p1 =	slt.u32 s9, $0xF7A;
	s5 =	simm.s32 @!p2 $0x0  }
0x1d: {  	s5 =	simm.s32 @p1 $0x1;
	p0 =	seq.s32 s7, s2  }
0x1e: {  	s7 =	smul.u32 @!p0 $0xF7A, s2;
	p2 =	seq.s32 @!p0 s5, $0x0  }
0x1f: {  	s9 =	smul.u32 $0xF7A, s1;
	s8 =	simm.s32 @!p0 $0x1BF5;
	p2 =	por !p2, p0  }
0x20: {  	[sflag:s8] =	ssyncset.s32 @!p0 $0xFFFFF086;
	s6 =	sadd.s32 @!p0 s3, s7;
	s7 =	simm.s32 @!p0 $0x108  }
0x21: {  	s3 =	sadd.s32 s3, s9;
	s6 =	sadd.s32 @!p0 $0x88, s6;
	s7 =	simm.s32 @p2 $0x1082  }
0x22: {  	[simem:s7], [sflag:s8] =	dma.local @!p0 [hbm:s6], $0xF7A  }
0x23: {  	s9 =	sor.u32 $0xD0000000, s2;
	s6 =	simm.s32 $0x108;
	_ =	swait.ge @!p0 [sflag:s8], $0x0  }
0x24: {  	s3 =	sadd.s32 $0x88, s3;
	s6 =	simm.s32 @!p1 $0x1082;
	[sflag:s4] =	ssyncset.s32 $0xFFFFF086  }
0x25: {  	[simem:s6], [sflag:s4] =	dma.local [hbm:s3], $0xF7A  }
0x26: {  	[smem:$0x3F9D] =	sst s1;
	(tag) =	ssettag s2;
	_ =	strace s9  }
0x27: {  	s1 =	sld [smem:$0x3FAD]  }
0x28: {  	s2 =	sld [smem:$0x3FAE]  }
0x29: {  	s4 =	sld [smem:$0x3FB0]  }
0x2a: {  	p0 =	seq.s32 s5, $0x0;
	s5 =	sld [smem:$0x3FB1]  }
0x2b: {  	s6 =	sld [smem:$0x3FB2]  }
0x2c: {  	s7 =	sld [smem:$0x3FB3]  }
0x2d: {  	s3 =	simm.s32 $0x108;
	s8 =	sld [smem:$0x3FB4]  }
0x2e: {  	s3 =	simm.s32 @!p0 $0x1082;
	s9 =	sld [smem:$0x3FB5]  }
0x2f: {  	lr =	sadd.s32 s0, s3;
	s0 =	sld [smem:$0x3FAC]  }
0x30: {  	s3 =	sld [smem:$0x3FAF]  }
0x31: {  	[smem:$0x3FB8] =	sst s10  }
0x32: {  	s10 =	sld [smem:$0x3FB6];
	_ =	sdelay $0x3  }
0x33: {  	p0 =	seq.s32 s10, $0x1;
	s10 =	sld [smem:$0x3FB8];
	_ =	sdelay $0x3  }
0x34: {  	[smem:$0x3FB8] =	sst s10  }
0x35: {  	s10 =	sld [smem:$0x3FB7];
	_ =	sdelay $0x3  }
0x36: {  	p1 =	seq.s32 s10, $0x1;
	s10 =	sld [smem:$0x3FB8];
	_ =	sdelay $0x3  }
0x37: {  	[smem:$0x3FB8] =	sst s10  }
0x38: {  	s10 =	sld [smem:$0x3FB9]  }
0x39: {  	_ = 	snop;
	(pc) =	sbr.ind lr, $3  }
0x3a: {  	_ = 	snop  }
0x3b: {  	_ = 	snop  }
0x3c: {  	p2 =	seq.s32 s10, $0x1;
	s10 =	sld [smem:$0x3FB8]  }
0x3d: {  	_ =	shalt  }
0x3e: {  	_ =	shalt  }
0x3f: {  	_ =	shalt  }
0x40: {  	_ =	shalt  }
0x41: {  	_ =	shalt  }
0x42: {  	_ =	shalt  }
0x43: {  	_ =	shalt  }
0x44: {  	_ =	shalt  }
0x45: {  	_ =	shalt  }
0x46: {  	_ =	shalt  }
0x47: {  	_ =	shalt  }
0x48: {  	_ =	shalt  }
0x49: {  	_ =	shalt  }
0x4a: {  	_ =	shalt  }
0x4b: {  	_ =	shalt  }
0x4c: {  	_ =	shalt  }
0x4d: {  	_ =	shalt  }
0x4e: {  	_ =	shalt  }
0x4f: {  	_ =	shalt  }
0x50: {  	_ =	shalt  }
0x51: {  	_ =	shalt  }
0x52: {  	_ =	shalt  }
0x53: {  	_ =	shalt  }
0x54: {  	_ =	shalt  }
0x55: {  	_ =	shalt  }
0x56: {  	_ =	shalt  }
0x57: {  	_ =	shalt  }
0x58: {  	_ =	shalt  }
0x59: {  	_ =	shalt  }
0x5a: {  	_ =	shalt  }
0x5b: {  	_ =	shalt  }
0x5c: {  	_ =	shalt  }
0x5d: {  	_ =	shalt  }
0x5e: {  	_ =	shalt  }
0x5f: {  	_ =	shalt  }
0x60: {  	_ =	shalt  }
0x61: {  	_ =	shalt  }
0x62: {  	_ =	shalt  }
0x63: {  	_ =	shalt  }
0x64: {  	_ =	shalt  }
0x65: {  	_ =	shalt  }
0x66: {  	_ =	shalt  }
0x67: {  	_ =	shalt  }
0x68: {  	_ =	shalt  }
0x69: {  	_ =	shalt  }
0x6a: {  	_ =	shalt  }
0x6b: {  	_ =	shalt  }
0x6c: {  	_ =	shalt  }
0x6d: {  	_ =	shalt  }
0x6e: {  	_ =	shalt  }
0x6f: {  	_ =	shalt  }
0x70: {  	_ =	shalt  }
0x71: {  	_ =	shalt  }
0x72: {  	_ =	shalt  }
0x73: {  	_ =	shalt  }
0x74: {  	_ =	shalt  }
0x75: {  	_ =	shalt  }
0x76: {  	_ =	shalt  }
0x77: {  	_ =	shalt  }
0x78: {  	_ =	shalt  }
0x79: {  	_ =	shalt  }
0x7a: {  	_ =	shalt  }
0x7b: {  	_ =	shalt  }
0x7c: {  	_ =	shalt  }
0x7d: {  	_ =	shalt  }
0x7e: {  	_ =	shalt  }
0x7f: {  	_ =	shalt  }
0x80: {  	_ =	shalt  }
0x81: {  	_ =	shalt  }
0x82: {  	_ =	shalt  }
0x83: {  	_ =	shalt  }
0x84: {  	_ =	shalt  }
0x85: {  	_ =	shalt  }
0x86: {  	_ =	shalt  }
0x87: {  	_ =	shalt  }
.Lfunc_end0:
.L_simem_size_0:
called_computation_lowered:
.L_overlay_start_0:
0x88: {  	s2 =	sld [smem:$0x3FD9]  }
0x89: {  	s3 =	sld [smem:$0x3FFE];
	_ =	sdelay $0x1  }
0x8a: {  	s1 =	srdreg.scid  }
0x8b: {  	s0 =	sand.u32 $0x1, s1  }
0x8c: {  	s17 =	sshll.u32 s0, $0xA;
	s2 =	sadd.s32 s3, s2  }
0x8d: {  	s2 =	sadd.s32 s2, s17  }
0x8e: {  	[smem:$0x3FC4] =	sst s2  }
0x8f: {  	_ = 	snop  }
0x90: {  	s2 =	sld [smem:$0x3FC9]  }
0x91: {  	s18 =	sld [smem:$0x3FD0];
	(tm) =	ssettm $0x1  }
0x92: {  	s4 =	sld [smem:$0x3FFB];
	_ =	sdelay $0x3  }
0x93: {  	_ =	strace s4  }
0x94: {  	s4 =	sld [smem:$0x3FFC];
	_ =	sdelay $0x3  }
0x95: {  	_ =	strace s4  }
0x96: {  	s4 =	sld [smem:$0x3FFD];
	_ =	sdelay $0x3  }
0x97: {  	_ =	strace s4  }
0x98: {  	_ =	strace $0x8FFFFFFF  }
0x99: {  	s19 =	sld [smem:$0x3FDB];
	_ =	sdelay $0x1  }
0x9a: {  	s5 =	simm.s32 $_scs_section_size  }
0x9b: {  	s6 =	simm.s32 $_size__tile_overlayer_lowered;
	s7 =	simm.s32 $_tile_overlayer_lowered  }
0x9c: {  	s22 =	simm.s32 $0x1BFF;
	s21 =	sshll.u32 s7, $0x1;
	s4 =	sadd.s32 s5, s19  }
0x9d: {  	s8 =	simm.s32 $0x0;
	s20 =	sshll.u32 s6, $0x1;
	s6 =	sadd.s32 s21, s4  }
0x9e: {  	[timem:s8], [sflag:s22] =	dma.local [hbm:s6], s20  }
0x9f: {  	_ =	swait.ge [sflag:s22], s20  }
0xa0: {  	s5 =	ssub.s32 $0x0, s20;
	[sflag:s22] =	ssyncset.done $0x0  }
0xa1: {  	[sflag:s22] =	ssyncadd.s32 s5;
	_ =	sdelay $0x1  }
0xa2: {  	s23 =	simm.s32 $0x1B8B  }
0xa3: {  	_ =	swait.ge [sflag:s23], $0x1  }
0xa4: {  	[sflag:s23] =	ssyncset.done $0x0  }
0xa5: {  	s25 =	simm.s32 $0x1B8E;
	s24 =	sld [smem:$0x3FFE];
	[sflag:s23] =	ssyncadd.s32 $0xFFFFFFFF  }
0xa6: {  	s26 =	simm.s32 $execute0_lowered;
	[smem:$0x3FD2] =	sst s25  }
0xa7: {  	s6 =	sshll.u32 s26, $0x1;
	_ =	strace $0x80000046;
	[dreg:$0x1] =	wrdreg $0xFFFFFFFF  }
0xa8: {  	s28 =	simm.s32 $_size_execute0_lowered;
	s4 =	sadd.s32 s4, s6;
	[dreg:$0x0] =	wrdreg $0x0  }
0xa9: {  	s6 =	sshll.u32 s28, $0x1;
	[dreg:$0x2] =	wrdreg s4  }
0xaa: {  	[dreg:$0x3] =	wrdreg s6  }
0xab: {  	[dreg:$0x4] =	wrdreg $0xC0  }
0xac: {  	_ =	task [dreg:s8], $0x5FFFF  }
0xad: {  	[dreg:$0x1] =	wrdreg $0xFFFFFFFF  }
0xae: {  	[dreg:$0x0] =	wrdreg $0x60  }
0xaf: {  	[dreg:$0x2] =	wrdreg s2  }
0xb0: {  	[dreg:$0x3] =	wrdreg s24  }
0xb1: {  	[dreg:$0x4] =	wrdreg s18  }
0xb2: {  	[dreg:$0x5] =	wrdreg $0x91000  }
0xb3: {  	[dreg:$0x6] =	wrdreg $0x1D1000  }
0xb4: {  	[dreg:$0x7] =	wrdreg $0x9  }
0xb5: {  	_ =	task.clear_ibuf [dreg:s8], $0x8FFFF;
	_ =	strace $0x90000046  }
0xb6: {  	s29 =	simm.s32 $0x9;
	_ =	strace $0x80000048  }
0xb7: {  	_ =	swait.ge [sflag:s29], $0x1  }
0xb8: {  	[sflag:s29] =	ssyncadd.s32 $0xFFFFFFFF  }
0xb9: {  	_ =	strace $0x90000048  }
0xba: {  	_ =	sfence  }
0xbb: {  	s30 =	sld [smem:$0x0];
	_ =	sdelay $0x2  }
0xbc: {  	s31 =	sshll.u32 s1, $0xD;
	s1 =	sshrl.u32 s1, $0x2  }
0xbd: {  	s3 =	sand.u32 $0x4000, s31;
	s1 =	sadd.s32 s1, s30  }
0xbe: {  	s0 =	sor.u32 s3, s0;
	s1 =	sshll.u32 s1, $0x11  }
0xbf: {  	s0 =	sor.u32 s1, s0  }
0xc0: {  	s0 =	sadd.s32 $0x8F2B, s0  }
0xc1: {  	[sflag:s0] =	ssyncadd.remote.s32 $0x1  }
0xc2: {  	_ =	sfence.sel $0xFFFF  }
0xc3: {  	[dreg:$0x0] =	wrdreg $0xFFFFFFFF;
	(pc) =	sbr.abs _section_cstart, $3  }
0xc4: {  	[dreg:$0x1] =	wrdreg $0xFFFFFFFF  }
0xc5: {  	_ =	task.clear_ibuf [dreg:s8], $0x2FFFF;
	_ =	strace $0x9FFFFFFF  }
0xc6: {  	(tm) =	ssettm $0x7FFFFFFF  }
0xc7: {  	_ =	shalt  }
tec
execute0_lowered:
.L_overlay_start_1:
0x0: {  	(tag) =	ssettag $0x1  }
0x1: {  	s1 =	rddreg [dreg:$0x0]  }
0x2: {  	s0 =	rddreg [dreg:$0x1]  }
0x3: {  	s6 =	rddreg [dreg:$0x2]  }
0x4: {  	s2 =	rddreg [dreg:$0x3]  }
0x5: {  	s3 =	rddreg [dreg:$0x4];
	s7 =	stileid.u32  }
0x6: {  	s5 =	srdreg.scid;
	s4 =	simm.s32 $0x0;
	s28 =	simm.s32 $0x2  }
0x7: {  	s29 =	simm.s32 $0x4;
	s30 =	simm.s32 $0x1F80;
	s31 =	simm.s32 $0x3F00  }
0x8: {  	s8 =	smul.u32 $0x14000, s7;
	s9 =	sand.u32 $0x1, s5;
	[smem:$0x7FF] =	sst s4  }
0x9: {  	s5 =	sadd.s32 $0x10200, s0;
	s11 =	sadd.s32 $0x200, s0;
	s18 =	smul.u32 $0x50000, s7  }
0xa: {  	s13 =	sadd.s32 $0x10800, s0;
	s21 =	sshll.u32 s7, $0x6;
	s22 =	sshll.u32 s7, $0xC  }
0xb: {  	p0 =	sne.s32 s7, $0x0;
	s7 =	simm.s32 $0x0;
	s10 =	smul.u32 $0x140000, s9  }
0xc: {  	_ =	strace $0x80000047;
	[dreg:$0x6] =	wrdreg s13;
	s20 =	ssub.s32 $0x2, s9  }
0xd: {  	s14 =	sshll.u32 s9, $0x4;
	s9 =	sshll.u32 s9, $0xB;
	s12 =	sshrl.u32 s8, $0x3  }
0xe: {  	s15 =	sshrl.u32 s20, $0x1;
	s9 =	sor.u32 s9, s22;
	s22 =	simm.s32 $0x9000  }
0xf: {  	s8 =	sadd.s32 s8, s10;
	s17 =	sadd.s32 s12, s0;
	s12 =	sshrl.u32 s18, $0x2  }
0x10: {  	s15 =	ssub.s32 s20, s15;
	s23 =	sadd.s32 s6, s9;
	s24 =	sadd.s32 s11, s9  }
0x11: {  	s9 =	sor.u32 $0x400, s9;
	s18 =	sshrl.u32 @!p0 s3, $0x3;
	s20 =	simm.s32 $0x50  }
0x12: {  	s8 =	sshrl.u32 s8, $0x3;
	s12 =	sadd.s32 s12, s2;
	[dreg:$0x8] =	wrdreg s23  }
0x13: {  	s10 =	sadd.s32 $0x10E00, s17;
	[dreg:$0x9] =	wrdreg s24;
	s6 =	sadd.s32 s6, s9  }
0x14: {  	s25 =	sadd.s32 s11, s9;
	s15 =	smax.u32 s15, $0x1;
	s17 =	simm.s32 $0x5  }
0x15: {  	s23 =	simm.s32 $0x6800;
	s24 =	simm.s32 $0x9080;
	[dreg:$0x7] =	wrdreg s10  }
0x16: {  	s19 =	sadd.s32 s8, s0;
	s0 =	sadd.s32 s14, s0;
	[dreg:$0xa] =	wrdreg s6  }
0x17: {  	s8 =	sor.u32 $0x1C05, s21;
	[dreg:$0xb] =	wrdreg s25;
	s16 =	sshrl.u32 s12, $0x3  }
0x18: {  	s21 =	simm.s32 $0x4000;
	s25 =	simm.s32 $0x1;
	s6 =	simm.s32 $0x3E00  }
0x19: {  	s26 =	sadd.s32 $0x39800, s19;
	s14 =	sadd.s32 $0x38E00, s0;
	s19 =	simm.s32 $0x2000  }
0x1a: {  	s0 =	simm.s32 $0x3F80;
	[dreg:$0xc] =	wrdreg s26;
	s26 =	simm.s32 $0x3  }
.LBB2_1:
0x1b: {  	s9 =	rddreg [dreg:$0x7]  }
0x1c: {  	[spmem:s16], [sflag:s8] =	dma.local [hbm:s9], $0x2800  }
0x1d: {  	_ =	swait.ge [sflag:s17], $0x2800  }
0x1e: {  	[sflag:s17] =	ssyncset.done $0x0  }
0x1f: {  	s9 =	rddreg [dreg:$0x6];
	[sflag:s17] =	ssyncadd.s32 $0xFFFFD800  }
0x20: {  	[spmem:s18], [sflag:s8] =	dma.local @!p0 [hbm:s9], $0x500  }
0x21: {  	s9 =	simm.s32 @!p0 $0x5  }
0x22: {  	_ =	swait.ge @!p0 [sflag:s9], $0x500  }
0x23: {  	[sflag:s9] =	ssyncset.done @!p0 $0x0  }
0x24: {  	[sflag:s9] =	ssyncadd.s32 @!p0 $0xFFFFFB00  }
0x25: {  	[bflag:$0x0] =	sbarrier.arrive $0xFFFF  }
0x26: {  	s12 =	rddreg [dreg:$0x8]  }
0x27: {  	[tilespmem:s4], [sflag:$0x5] =	stream.linear.gather [hbm4b:s12+s4], $0x2000, $0x38;
	[tilespmem:$0x1D380] =	vst v63  }
0x28: {  	_ =	swait.ge [sflag:s17], $0x2000  }
0x29: {  	[sflag:s17] =	ssyncset.done $0x0  }
0x2a: {  	s13 =	rddreg [dreg:$0x9];
	[sflag:s17] =	ssyncadd.s32 $0xFFFFE000  }
0x2b: {  	[tilespmem:s19], [sflag:$0x5] =	stream.linear.gather [hbm4b:s13+s4], $0x2000, $0x38;
	[tilespmem:$0x1D380] =	vst v63  }
0x2c: {  	_ =	swait.ge [sflag:s17], $0x2000  }
0x2d: {  	[sflag:s17] =	ssyncset.done $0x0  }
0x2e: {  	[sflag:s17] =	ssyncadd.s32 $0xFFFFE000  }
0x2f: {  	[tilespmem:s21], [sflag:$0x1] =	stream.indirect.gather [hbm4b:s1+s20], $0x80, s4, s20, $0xb8;
	[tilespmem:$0x1D380] =	vst v63  }
0x30: {  	_ = 	snop  }
0x31: {  	[tilespmem:s22], [sflag:$0x3] =	stream.indirect.gather [hbm4b:s5+s20], $0x1, s4, s20, $0xb8;
	[tilespmem:$0x1D380] =	vst v63  }
0x32: {  	s10 =	simm.s32 $0x80  }
0x33: {  	[tilespmem:s23], [sflag:$0x2] =	stream.indirect.gather [hbm4b:s1+s20], $0x80, s10, s20, $0xb8;
	[tilespmem:$0x1D380] =	vst v63  }
0x34: {  	_ = 	snop  }
0x35: {  	[tilespmem:s24], [sflag:$0x4] =	stream.indirect.gather [hbm4b:s5+s20], $0x1, s10, s20, $0xb8;
	[tilespmem:$0x1D380] =	vst v63  }
0x36: {  	_ =	swait.ge [sflag:s25], $0x2800  }
0x37: {  	[sflag:s25] =	ssyncset.done $0x0  }
0x38: {  	[sflag:s25] =	ssyncadd.s32 $0xFFFFD800  }
0x39: {  	_ =	swait.ge [sflag:s26], $0x50  }
0x3a: {  	[sflag:s26] =	ssyncset.done $0x0  }
0x3b: {  	s11 =	simm.s32 $0x2000;
	[sflag:s26] =	ssyncadd.s32 $0xFFFFFFB0  }
0x3c: {  	[spmem:s3] =	stream.indirect.scatter.add.f32 [tilespmem:s22], [sflag:$0x3], $0x1, s11, s20, $0xb8;
	[tilespmem:$0x1D380] =	vst v63  }
0x3d: {  	_ = 	snop  }
0x3e: {  	[spmem:s2] =	stream.indirect.scatter.add.f32 [tilespmem:s21], [sflag:$0x5], $0x80, s11, s20, $0xb8;
	[tilespmem:$0x1D380] =	vst v63  }
0x3f: {  	_ =	swait.ge [sflag:s17], $0x2800  }
0x40: {  	[sflag:s17] =	ssyncset.done $0x0  }
0x41: {  	[sflag:s17] =	ssyncadd.s32 $0xFFFFD800  }
0x42: {  	_ =	swait.ge [sflag:s26], $0x50  }
0x43: {  	[sflag:s26] =	ssyncset.done $0x0  }
0x44: {  	s12 =	simm.s32 $0x100;
	[sflag:s26] =	ssyncadd.s32 $0xFFFFFFB0  }
0x45: {  	[tilespmem:s21], [sflag:$0x1] =	stream.indirect.gather [hbm4b:s1+s20], $0x80, s12, s20, $0xb8;
	[tilespmem:$0x1D380] =	vst v63  }
0x46: {  	_ = 	snop  }
0x47: {  	[tilespmem:s22], [sflag:$0x3] =	stream.indirect.gather [hbm4b:s5+s20], $0x1, s12, s20, $0xb8;
	[tilespmem:$0x1D380] =	vst v63  }
0x48: {  	_ =	swait.ge [sflag:s28], $0x2800  }
0x49: {  	[sflag:s28] =	ssyncset.done $0x0  }
0x4a: {  	[sflag:s28] =	ssyncadd.s32 $0xFFFFD800  }
0x4b: {  	_ =	swait.ge [sflag:s29], $0x50  }
0x4c: {  	[sflag:s29] =	ssyncset.done $0x0  }
0x4d: {  	s13 =	simm.s32 $0x2080;
	[sflag:s29] =	ssyncadd.s32 $0xFFFFFFB0  }
0x4e: {  	[spmem:s3] =	stream.indirect.scatter.add.f32 [tilespmem:s24], [sflag:$0x4], $0x1, s13, s20, $0xb8;
	[tilespmem:$0x1D380] =	vst v63  }
0x4f: {  	_ = 	snop  }
0x50: {  	[spmem:s2] =	stream.indirect.scatter.add.f32 [tilespmem:s23], [sflag:$0x5], $0x80, s13, s20, $0xb8;
	[tilespmem:$0x1D380] =	vst v63  }
0x51: {  	_ =	swait.ge [sflag:s17], $0x2800  }
0x52: {  	[sflag:s17] =	ssyncset.done $0x0  }
0x53: {  	[sflag:s17] =	ssyncadd.s32 $0xFFFFD800  }
0x54: {  	_ =	swait.ge [sflag:s29], $0x50  }
0x55: {  	s9 =	simm.s32 $0x200;
	s10 =	simm.s32 $0xC00;
	[sflag:s29] =	ssyncset.done $0x0  }
.LBB2_2:
0x56: {  	s13 =	sadd.s32 $0xFFFFFF80, s9  }
0x57: {  	[sflag:s29] =	ssyncadd.s32 $0xFFFFFFB0;
	s11 =	smov.u32 s10;
	s12 =	sadd.s32 $0x400, s10  }
0x58: {  	[tilespmem:s23], [sflag:$0x2] =	stream.indirect.gather [hbm4b:s1+s20], $0x80, s13, s20, $0xb8;
	[tilespmem:$0x1D380] =	vst v63  }
0x59: {  	p1 =	sne.s32 s10, $0x7C00  }
0x5a: {  	[tilespmem:s24], [sflag:$0x4] =	stream.indirect.gather [hbm4b:s5+s20], $0x1, s13, s20, $0xb8;
	[tilespmem:$0x1D380] =	vst v63  }
0x5b: {  	_ =	swait.ge [sflag:s25], $0x2800  }
0x5c: {  	[sflag:s25] =	ssyncset.done $0x0  }
0x5d: {  	[sflag:s25] =	ssyncadd.s32 $0xFFFFD800  }
0x5e: {  	_ =	swait.ge [sflag:s26], $0x50  }
0x5f: {  	[sflag:s26] =	ssyncset.done $0x0  }
0x60: {  	s10 =	sadd.s32 $0x1F00, s9;
	[sflag:s26] =	ssyncadd.s32 $0xFFFFFFB0  }
0x61: {  	[spmem:s3] =	stream.indirect.scatter.add.f32 [tilespmem:s22], [sflag:$0x3], $0x1, s10, s20, $0xb8;
	[tilespmem:$0x1D380] =	vst v63  }
0x62: {  	_ = 	snop  }
0x63: {  	[spmem:s2] =	stream.indirect.scatter.add.f32 [tilespmem:s21], [sflag:$0x5], $0x80, s10, s20, $0xb8;
	[tilespmem:$0x1D380] =	vst v63  }
0x64: {  	_ =	swait.ge [sflag:s17], $0x2800  }
0x65: {  	[sflag:s17] =	ssyncset.done $0x0  }
0x66: {  	[sflag:s17] =	ssyncadd.s32 $0xFFFFD800  }
0x67: {  	_ =	swait.ge [sflag:s26], $0x50  }
0x68: {  	[sflag:s26] =	ssyncset.done $0x0  }
0x69: {  	[sflag:s26] =	ssyncadd.s32 $0xFFFFFFB0  }
0x6a: {  	[tilespmem:s21], [sflag:$0x1] =	stream.indirect.gather [hbm4b:s1+s20], $0x80, s9, s20, $0xb8;
	[tilespmem:$0x1D380] =	vst v63  }
0x6b: {  	_ = 	snop  }
0x6c: {  	[tilespmem:s22], [sflag:$0x3] =	stream.indirect.gather [hbm4b:s5+s20], $0x1, s9, s20, $0xb8;
	[tilespmem:$0x1D380] =	vst v63  }
0x6d: {  	_ =	swait.ge [sflag:s28], $0x2800  }
0x6e: {  	[sflag:s28] =	ssyncset.done $0x0  }
0x6f: {  	[sflag:s28] =	ssyncadd.s32 $0xFFFFD800  }
0x70: {  	_ =	swait.ge [sflag:s29], $0x50  }
0x71: {  	[sflag:s29] =	ssyncset.done $0x0  }
0x72: {  	s9 =	sadd.s32 $0x1F80, s9;
	[sflag:s29] =	ssyncadd.s32 $0xFFFFFFB0  }
0x73: {  	[spmem:s3] =	stream.indirect.scatter.add.f32 [tilespmem:s24], [sflag:$0x4], $0x1, s9, s20, $0xb8;
	[tilespmem:$0x1D380] =	vst v63  }
0x74: {  	_ = 	snop  }
0x75: {  	[spmem:s2] =	stream.indirect.scatter.add.f32 [tilespmem:s23], [sflag:$0x5], $0x80, s9, s20, $0xb8;
	[tilespmem:$0x1D380] =	vst v63  }
.Ltmp0:
0x76: {  	_ =	swait.ge [sflag:s17], $0x2800;
	(pc) =	sbr.rel @p1 .LBB2_2-.Ltmp0, $4  }
0x77: {  	[sflag:s17] =	ssyncset.done $0x0  }
0x78: {  	[sflag:s17] =	ssyncadd.s32 $0xFFFFD800  }
0x79: {  	_ =	swait.ge [sflag:s29], $0x50  }
0x7a: {  	s10 =	smov.u32 s12;
	s9 =	sshra.s32 s11, $0x2;
	[sflag:s29] =	ssyncset.done $0x0  }
0x7b: {  	s10 =	sadd.s32 $0xFFFFFF80, s9;
	[sflag:s29] =	ssyncadd.s32 $0xFFFFFFB0  }
0x7c: {  	[tilespmem:s23], [sflag:$0x2] =	stream.indirect.gather [hbm4b:s1+s20], $0x80, s10, s20, $0xb8;
	[tilespmem:$0x1D380] =	vst v63  }
0x7d: {  	_ = 	snop  }
0x7e: {  	[tilespmem:s24], [sflag:$0x4] =	stream.indirect.gather [hbm4b:s5+s20], $0x1, s10, s20, $0xb8;
	[tilespmem:$0x1D380] =	vst v63  }
0x7f: {  	_ =	swait.ge [sflag:s25], $0x2800  }
0x80: {  	[sflag:s25] =	ssyncset.done $0x0  }
0x81: {  	[sflag:s25] =	ssyncadd.s32 $0xFFFFD800  }
0x82: {  	_ =	swait.ge [sflag:s26], $0x50  }
0x83: {  	[sflag:s26] =	ssyncset.done $0x0  }
0x84: {  	s13 =	sadd.s32 $0x1F00, s9;
	[sflag:s26] =	ssyncadd.s32 $0xFFFFFFB0  }
0x85: {  	[spmem:s3] =	stream.indirect.scatter.add.f32 [tilespmem:s22], [sflag:$0x3], $0x1, s13, s20, $0xb8;
	[tilespmem:$0x1D380] =	vst v63  }
0x86: {  	_ = 	snop  }
0x87: {  	[spmem:s2] =	stream.indirect.scatter.add.f32 [tilespmem:s21], [sflag:$0x5], $0x80, s13, s20, $0xb8;
	[tilespmem:$0x1D380] =	vst v63  }
0x88: {  	_ =	swait.ge [sflag:s17], $0x2800  }
0x89: {  	[sflag:s17] =	ssyncset.done $0x0  }
0x8a: {  	[sflag:s17] =	ssyncadd.s32 $0xFFFFD800  }
0x8b: {  	_ =	swait.ge [sflag:s26], $0x50  }
0x8c: {  	[sflag:s26] =	ssyncset.done $0x0  }
0x8d: {  	[sflag:s26] =	ssyncadd.s32 $0xFFFFFFB0  }
0x8e: {  	[tilespmem:s21], [sflag:$0x1] =	stream.indirect.gather [hbm4b:s1+s20], $0x80, s9, s20, $0xb8;
	[tilespmem:$0x1D380] =	vst v63  }
0x8f: {  	_ = 	snop  }
0x90: {  	[tilespmem:s22], [sflag:$0x3] =	stream.indirect.gather [hbm4b:s5+s20], $0x1, s9, s20, $0xb8;
	[tilespmem:$0x1D380] =	vst v63  }
0x91: {  	_ =	swait.ge [sflag:s28], $0x2800  }
0x92: {  	[sflag:s28] =	ssyncset.done $0x0  }
0x93: {  	[sflag:s28] =	ssyncadd.s32 $0xFFFFD800  }
0x94: {  	_ =	swait.ge [sflag:s29], $0x50  }
0x95: {  	[sflag:s29] =	ssyncset.done $0x0  }
0x96: {  	s11 =	sadd.s32 $0x1F80, s9;
	[sflag:s29] =	ssyncadd.s32 $0xFFFFFFB0  }
0x97: {  	[spmem:s3] =	stream.indirect.scatter.add.f32 [tilespmem:s24], [sflag:$0x4], $0x1, s11, s20, $0xb8;
	[tilespmem:$0x1D380] =	vst v63  }
0x98: {  	_ = 	snop  }
0x99: {  	[spmem:s2] =	stream.indirect.scatter.add.f32 [tilespmem:s23], [sflag:$0x5], $0x80, s11, s20, $0xb8;
	[tilespmem:$0x1D380] =	vst v63  }
0x9a: {  	_ =	swait.ge [sflag:s17], $0x2800  }
0x9b: {  	[sflag:s17] =	ssyncset.done $0x0  }
0x9c: {  	[sflag:s17] =	ssyncadd.s32 $0xFFFFD800  }
0x9d: {  	_ =	swait.ge [sflag:s29], $0x50  }
0x9e: {  	[sflag:s29] =	ssyncset.done $0x0  }
0x9f: {  	[sflag:s29] =	ssyncadd.s32 $0xFFFFFFB0  }
0xa0: {  	[tilespmem:s23], [sflag:$0x2] =	stream.indirect.gather [hbm4b:s1+s20], $0x80, s30, s20, $0xb8;
	[tilespmem:$0x1D380] =	vst v63  }
0xa1: {  	_ = 	snop  }
0xa2: {  	[tilespmem:s24], [sflag:$0x4] =	stream.indirect.gather [hbm4b:s5+s20], $0x1, s30, s20, $0xb8;
	[tilespmem:$0x1D380] =	vst v63  }
0xa3: {  	_ =	swait.ge [sflag:s25], $0x2800  }
0xa4: {  	[sflag:s25] =	ssyncset.done $0x0  }
0xa5: {  	[sflag:s25] =	ssyncadd.s32 $0xFFFFD800  }
0xa6: {  	_ =	swait.ge [sflag:s26], $0x50  }
0xa7: {  	[sflag:s26] =	ssyncset.done $0x0  }
0xa8: {  	[sflag:s26] =	ssyncadd.s32 $0xFFFFFFB0  }
0xa9: {  	[spmem:s3] =	stream.indirect.scatter.add.f32 [tilespmem:s22], [sflag:$0x3], $0x1, s31, s20, $0xb8;
	[tilespmem:$0x1D380] =	vst v63  }
0xaa: {  	_ = 	snop  }
0xab: {  	[spmem:s2] =	stream.indirect.scatter.add.f32 [tilespmem:s21], [sflag:$0x5], $0x80, s31, s20, $0xb8;
	[tilespmem:$0x1D380] =	vst v63  }
0xac: {  	_ =	swait.ge [sflag:s17], $0x2800  }
0xad: {  	[sflag:s17] =	ssyncset.done $0x0  }
0xae: {  	[sflag:s17] =	ssyncadd.s32 $0xFFFFD800  }
0xaf: {  	_ =	swait.ge [sflag:s26], $0x50  }
0xb0: {  	[sflag:s26] =	ssyncset.done $0x0  }
0xb1: {  	[sflag:s26] =	ssyncadd.s32 $0xFFFFFFB0  }
0xb2: {  	_ =	swait.ge [sflag:s28], $0x2800  }
0xb3: {  	[sflag:s28] =	ssyncset.done $0x0  }
0xb4: {  	[sflag:s28] =	ssyncadd.s32 $0xFFFFD800  }
0xb5: {  	_ =	swait.ge [sflag:s29], $0x50  }
0xb6: {  	[sflag:s29] =	ssyncset.done $0x0  }
0xb7: {  	[sflag:s29] =	ssyncadd.s32 $0xFFFFFFB0  }
0xb8: {  	[spmem:s3] =	stream.indirect.scatter.add.f32 [tilespmem:s24], [sflag:$0x4], $0x1, s0, s20, $0xb8;
	[tilespmem:$0x1D380] =	vst v63  }
0xb9: {  	_ = 	snop  }
0xba: {  	[spmem:s2] =	stream.indirect.scatter.add.f32 [tilespmem:s23], [sflag:$0x5], $0x80, s0, s20, $0xb8;
	[tilespmem:$0x1D380] =	vst v63  }
0xbb: {  	_ =	swait.ge [sflag:s17], $0x2800  }
0xbc: {  	[sflag:s17] =	ssyncset.done $0x0  }
0xbd: {  	[sflag:s17] =	ssyncadd.s32 $0xFFFFD800  }
0xbe: {  	_ =	swait.ge [sflag:s29], $0x50  }
0xbf: {  	[sflag:s29] =	ssyncset.done $0x0  }
0xc0: {  	s12 =	rddreg [dreg:$0xa];
	[sflag:s29] =	ssyncadd.s32 $0xFFFFFFB0  }
0xc1: {  	[tilespmem:s4], [sflag:$0x5] =	stream.linear.gather [hbm4b:s12+s4], $0x1E80, $0x38;
	[tilespmem:$0x1D380] =	vst v63  }
0xc2: {  	_ =	swait.ge [sflag:s17], $0x1E80  }
0xc3: {  	[sflag:s17] =	ssyncset.done $0x0  }
0xc4: {  	s13 =	rddreg [dreg:$0xb];
	[sflag:s17] =	ssyncadd.s32 $0xFFFFE180  }
0xc5: {  	[tilespmem:s19], [sflag:$0x5] =	stream.linear.gather [hbm4b:s13+s4], $0x1E80, $0x38;
	[tilespmem:$0x1D380] =	vst v63  }
0xc6: {  	_ =	swait.ge [sflag:s17], $0x1E80  }
0xc7: {  	[sflag:s17] =	ssyncset.done $0x0  }
0xc8: {  	[sflag:s17] =	ssyncadd.s32 $0xFFFFE180  }
0xc9: {  	[tilespmem:s21], [sflag:$0x1] =	stream.indirect.gather [hbm4b:s1+s20], $0x80, s4, s20, $0xb8;
	[tilespmem:$0x1D380] =	vst v63  }
0xca: {  	_ = 	snop  }
0xcb: {  	[tilespmem:s22], [sflag:$0x3] =	stream.indirect.gather [hbm4b:s5+s20], $0x1, s4, s20, $0xb8;
	[tilespmem:$0x1D380] =	vst v63  }
0xcc: {  	s10 =	simm.s32 $0x80  }
0xcd: {  	[tilespmem:s23], [sflag:$0x2] =	stream.indirect.gather [hbm4b:s1+s20], $0x80, s10, s20, $0xb8;
	[tilespmem:$0x1D380] =	vst v63  }
0xce: {  	_ = 	snop  }
0xcf: {  	[tilespmem:s24], [sflag:$0x4] =	stream.indirect.gather [hbm4b:s5+s20], $0x1, s10, s20, $0xb8;
	[tilespmem:$0x1D380] =	vst v63  }
0xd0: {  	_ =	swait.ge [sflag:s25], $0x2800  }
0xd1: {  	[sflag:s25] =	ssyncset.done $0x0  }
0xd2: {  	[sflag:s25] =	ssyncadd.s32 $0xFFFFD800  }
0xd3: {  	_ =	swait.ge [sflag:s26], $0x50  }
0xd4: {  	[sflag:s26] =	ssyncset.done $0x0  }
0xd5: {  	s11 =	simm.s32 $0x2000;
	[sflag:s26] =	ssyncadd.s32 $0xFFFFFFB0  }
0xd6: {  	[spmem:s3] =	stream.indirect.scatter.add.f32 [tilespmem:s22], [sflag:$0x3], $0x1, s11, s20, $0xb8;
	[tilespmem:$0x1D380] =	vst v63  }
0xd7: {  	_ = 	snop  }
0xd8: {  	[spmem:s2] =	stream.indirect.scatter.add.f32 [tilespmem:s21], [sflag:$0x5], $0x80, s11, s20, $0xb8;
	[tilespmem:$0x1D380] =	vst v63  }
0xd9: {  	_ =	swait.ge [sflag:s17], $0x2800  }
0xda: {  	[sflag:s17] =	ssyncset.done $0x0  }
0xdb: {  	[sflag:s17] =	ssyncadd.s32 $0xFFFFD800  }
0xdc: {  	_ =	swait.ge [sflag:s26], $0x50  }
0xdd: {  	[sflag:s26] =	ssyncset.done $0x0  }
0xde: {  	s12 =	simm.s32 $0x100;
	[sflag:s26] =	ssyncadd.s32 $0xFFFFFFB0  }
0xdf: {  	[tilespmem:s21], [sflag:$0x1] =	stream.indirect.gather [hbm4b:s1+s20], $0x80, s12, s20, $0xb8;
	[tilespmem:$0x1D380] =	vst v63  }
0xe0: {  	_ = 	snop  }
0xe1: {  	[tilespmem:s22], [sflag:$0x3] =	stream.indirect.gather [hbm4b:s5+s20], $0x1, s12, s20, $0xb8;
	[tilespmem:$0x1D380] =	vst v63  }
0xe2: {  	_ =	swait.ge [sflag:s28], $0x2800  }
0xe3: {  	[sflag:s28] =	ssyncset.done $0x0  }
0xe4: {  	[sflag:s28] =	ssyncadd.s32 $0xFFFFD800  }
0xe5: {  	_ =	swait.ge [sflag:s29], $0x50  }
0xe6: {  	[sflag:s29] =	ssyncset.done $0x0  }
0xe7: {  	s13 =	simm.s32 $0x2080;
	[sflag:s29] =	ssyncadd.s32 $0xFFFFFFB0  }
0xe8: {  	[spmem:s3] =	stream.indirect.scatter.add.f32 [tilespmem:s24], [sflag:$0x4], $0x1, s13, s20, $0xb8;
	[tilespmem:$0x1D380] =	vst v63  }
0xe9: {  	_ = 	snop  }
0xea: {  	[spmem:s2] =	stream.indirect.scatter.add.f32 [tilespmem:s23], [sflag:$0x5], $0x80, s13, s20, $0xb8;
	[tilespmem:$0x1D380] =	vst v63  }
0xeb: {  	_ =	swait.ge [sflag:s17], $0x2800  }
0xec: {  	[sflag:s17] =	ssyncset.done $0x0  }
0xed: {  	[sflag:s17] =	ssyncadd.s32 $0xFFFFD800  }
0xee: {  	_ =	swait.ge [sflag:s29], $0x50  }
0xef: {  	s9 =	simm.s32 $0xFFFFE300;
	s12 =	simm.s32 $0xFFFF9000;
	[sflag:s29] =	ssyncset.done $0x0  }
.LBB2_4:
0xf0: {  	s13 =	sadd.s32 $0x1E80, s9  }
0xf1: {  	[sflag:s29] =	ssyncadd.s32 $0xFFFFFFB0;
	s11 =	smov.u32 s12;
	s10 =	sadd.s32 $0x400, s12  }
0xf2: {  	[tilespmem:s23], [sflag:$0x2] =	stream.indirect.gather [hbm4b:s1+s20], $0x80, s13, s20, $0xb8;
	[tilespmem:$0x1D380] =	vst v63  }
0xf3: {  	p1 =	sne.s32 s12, $0xFFFFFC00  }
0xf4: {  	[tilespmem:s24], [sflag:$0x4] =	stream.indirect.gather [hbm4b:s5+s20], $0x1, s13, s20, $0xb8;
	[tilespmem:$0x1D380] =	vst v63  }
0xf5: {  	_ =	swait.ge [sflag:s25], $0x2800  }
0xf6: {  	[sflag:s25] =	ssyncset.done $0x0  }
0xf7: {  	[sflag:s25] =	ssyncadd.s32 $0xFFFFD800  }
0xf8: {  	_ =	swait.ge [sflag:s26], $0x50  }
0xf9: {  	[sflag:s26] =	ssyncset.done $0x0  }
0xfa: {  	s12 =	sadd.s32 $0x3E00, s9;
	[sflag:s26] =	ssyncadd.s32 $0xFFFFFFB0  }
0xfb: {  	[spmem:s3] =	stream.indirect.scatter.add.f32 [tilespmem:s22], [sflag:$0x3], $0x1, s12, s20, $0xb8;
	[tilespmem:$0x1D380] =	vst v63  }
0xfc: {  	_ = 	snop  }
0xfd: {  	[spmem:s2] =	stream.indirect.scatter.add.f32 [tilespmem:s21], [sflag:$0x5], $0x80, s12, s20, $0xb8;
	[tilespmem:$0x1D380] =	vst v63  }
0xfe: {  	_ =	swait.ge [sflag:s17], $0x2800  }
0xff: {  	[sflag:s17] =	ssyncset.done $0x0  }
0x100: {  	[sflag:s17] =	ssyncadd.s32 $0xFFFFD800  }
0x101: {  	_ =	swait.ge [sflag:s26], $0x50  }
0x102: {  	[sflag:s26] =	ssyncset.done $0x0  }
0x103: {  	s12 =	sadd.s32 $0x1F00, s9;
	[sflag:s26] =	ssyncadd.s32 $0xFFFFFFB0  }
0x104: {  	[tilespmem:s21], [sflag:$0x1] =	stream.indirect.gather [hbm4b:s1+s20], $0x80, s12, s20, $0xb8;
	[tilespmem:$0x1D380] =	vst v63  }
0x105: {  	_ = 	snop  }
0x106: {  	[tilespmem:s22], [sflag:$0x3] =	stream.indirect.gather [hbm4b:s5+s20], $0x1, s12, s20, $0xb8;
	[tilespmem:$0x1D380] =	vst v63  }
0x107: {  	_ =	swait.ge [sflag:s28], $0x2800  }
0x108: {  	[sflag:s28] =	ssyncset.done $0x0  }
0x109: {  	[sflag:s28] =	ssyncadd.s32 $0xFFFFD800  }
0x10a: {  	_ =	swait.ge [sflag:s29], $0x50  }
0x10b: {  	[sflag:s29] =	ssyncset.done $0x0  }
0x10c: {  	s9 =	sadd.s32 $0x3E80, s9;
	[sflag:s29] =	ssyncadd.s32 $0xFFFFFFB0  }
0x10d: {  	[spmem:s3] =	stream.indirect.scatter.add.f32 [tilespmem:s24], [sflag:$0x4], $0x1, s9, s20, $0xb8;
	[tilespmem:$0x1D380] =	vst v63  }
0x10e: {  	_ = 	snop  }
0x10f: {  	[spmem:s2] =	stream.indirect.scatter.add.f32 [tilespmem:s23], [sflag:$0x5], $0x80, s9, s20, $0xb8;
	[tilespmem:$0x1D380] =	vst v63  }
.Ltmp1:
0x110: {  	_ =	swait.ge [sflag:s17], $0x2800;
	(pc) =	sbr.rel @p1 .LBB2_4-.Ltmp1, $4  }
0x111: {  	[sflag:s17] =	ssyncset.done $0x0  }
0x112: {  	[sflag:s17] =	ssyncadd.s32 $0xFFFFD800  }
0x113: {  	_ =	swait.ge [sflag:s29], $0x50  }
0x114: {  	s12 =	smov.u32 s10;
	s9 =	sshra.s32 s11, $0x2;
	[sflag:s29] =	ssyncset.done $0x0  }
0x115: {  	s10 =	sadd.s32 $0x1E80, s9;
	[sflag:s29] =	ssyncadd.s32 $0xFFFFFFB0  }
0x116: {  	[tilespmem:s23], [sflag:$0x2] =	stream.indirect.gather [hbm4b:s1+s20], $0x80, s10, s20, $0xb8;
	[tilespmem:$0x1D380] =	vst v63  }
0x117: {  	_ = 	snop  }
0x118: {  	[tilespmem:s24], [sflag:$0x4] =	stream.indirect.gather [hbm4b:s5+s20], $0x1, s10, s20, $0xb8;
	[tilespmem:$0x1D380] =	vst v63  }
0x119: {  	_ =	swait.ge [sflag:s25], $0x2800  }
0x11a: {  	[sflag:s25] =	ssyncset.done $0x0  }
0x11b: {  	[sflag:s25] =	ssyncadd.s32 $0xFFFFD800  }
0x11c: {  	_ =	swait.ge [sflag:s26], $0x50  }
0x11d: {  	[sflag:s26] =	ssyncset.done $0x0  }
0x11e: {  	s13 =	sadd.s32 $0x3E00, s9;
	[sflag:s26] =	ssyncadd.s32 $0xFFFFFFB0  }
0x11f: {  	[spmem:s3] =	stream.indirect.scatter.add.f32 [tilespmem:s22], [sflag:$0x3], $0x1, s13, s20, $0xb8;
	[tilespmem:$0x1D380] =	vst v63  }
0x120: {  	_ = 	snop  }
0x121: {  	[spmem:s2] =	stream.indirect.scatter.add.f32 [tilespmem:s21], [sflag:$0x5], $0x80, s13, s20, $0xb8;
	[tilespmem:$0x1D380] =	vst v63  }
0x122: {  	_ =	swait.ge [sflag:s17], $0x2800  }
0x123: {  	[sflag:s17] =	ssyncset.done $0x0  }
0x124: {  	[sflag:s17] =	ssyncadd.s32 $0xFFFFD800  }
0x125: {  	_ =	swait.ge [sflag:s26], $0x50  }
0x126: {  	[sflag:s26] =	ssyncset.done $0x0  }
0x127: {  	s11 =	sadd.s32 $0x1F00, s9;
	[sflag:s26] =	ssyncadd.s32 $0xFFFFFFB0  }
0x128: {  	[tilespmem:s21], [sflag:$0x1] =	stream.indirect.gather [hbm4b:s1+s20], $0x80, s11, s20, $0xb8;
	[tilespmem:$0x1D380] =	vst v63  }
0x129: {  	_ = 	snop  }
0x12a: {  	[tilespmem:s22], [sflag:$0x3] =	stream.indirect.gather [hbm4b:s5+s20], $0x1, s11, s20, $0xb8;
	[tilespmem:$0x1D380] =	vst v63  }
0x12b: {  	_ =	swait.ge [sflag:s28], $0x2800  }
0x12c: {  	[sflag:s28] =	ssyncset.done $0x0  }
0x12d: {  	[sflag:s28] =	ssyncadd.s32 $0xFFFFD800  }
0x12e: {  	_ =	swait.ge [sflag:s29], $0x50  }
0x12f: {  	[sflag:s29] =	ssyncset.done $0x0  }
0x130: {  	s12 =	sadd.s32 $0x3E80, s9;
	[sflag:s29] =	ssyncadd.s32 $0xFFFFFFB0  }
0x131: {  	[spmem:s3] =	stream.indirect.scatter.add.f32 [tilespmem:s24], [sflag:$0x4], $0x1, s12, s20, $0xb8;
	[tilespmem:$0x1D380] =	vst v63  }
0x132: {  	_ = 	snop  }
0x133: {  	[spmem:s2] =	stream.indirect.scatter.add.f32 [tilespmem:s23], [sflag:$0x5], $0x80, s12, s20, $0xb8;
	[tilespmem:$0x1D380] =	vst v63  }
0x134: {  	_ =	swait.ge [sflag:s17], $0x2800  }
0x135: {  	[sflag:s17] =	ssyncset.done $0x0  }
0x136: {  	[sflag:s17] =	ssyncadd.s32 $0xFFFFD800  }
0x137: {  	_ =	swait.ge [sflag:s29], $0x50  }
0x138: {  	[sflag:s29] =	ssyncset.done $0x0  }
0x139: {  	[sflag:s29] =	ssyncadd.s32 $0xFFFFFFB0  }
0x13a: {  	_ =	swait.ge [sflag:s25], $0x2800  }
0x13b: {  	[sflag:s25] =	ssyncset.done $0x0  }
0x13c: {  	[sflag:s25] =	ssyncadd.s32 $0xFFFFD800  }
0x13d: {  	_ =	swait.ge [sflag:s26], $0x50  }
0x13e: {  	[sflag:s26] =	ssyncset.done $0x0  }
0x13f: {  	[sflag:s26] =	ssyncadd.s32 $0xFFFFFFB0  }
0x140: {  	[spmem:s3] =	stream.indirect.scatter.add.f32 [tilespmem:s22], [sflag:$0x3], $0x1, s6, s20, $0xb8;
	[tilespmem:$0x1D380] =	vst v63  }
0x141: {  	_ = 	snop  }
0x142: {  	[spmem:s2] =	stream.indirect.scatter.add.f32 [tilespmem:s21], [sflag:$0x5], $0x80, s6, s20, $0xb8;
	[tilespmem:$0x1D380] =	vst v63  }
0x143: {  	_ =	swait.ge [sflag:s17], $0x2800  }
0x144: {  	[sflag:s17] =	ssyncset.done $0x0  }
0x145: {  	[sflag:s17] =	ssyncadd.s32 $0xFFFFD800  }
0x146: {  	_ =	swait.ge [sflag:s26], $0x50  }
0x147: {  	[sflag:s26] =	ssyncset.done $0x0  }
0x148: {  	[sflag:s26] =	ssyncadd.s32 $0xFFFFFFB0  }
0x149: {  	[bflag:$0x0] =	sbarrier.arrive $0xFFFF  }
0x14a: {  	s13 =	rddreg [dreg:$0xc]  }
0x14b: {  	[hbm:s13], [sflag:s8] =	dma.local [spmem:s16], $0x2800  }
0x14c: {  	s7 =	sadd.s32 $0x1, s7;
	_ =	swait.ge [sflag:s17], $0x2800  }
0x14d: {  	s9 =	simm.s32 @!p0 $0x1;
	p1 =	sne.s32 s7, s15;
	[sflag:s17] =	ssyncset.done $0x0  }
0x14e: {  	s10 =	simm.s32 @!p0 $0x20;
	s11 =	simm.s32 @!p0 $0x10;
	[sflag:s17] =	ssyncadd.s32 $0xFFFFD800  }
0x14f: {  	[hbm:s14@s10], [sflag:s8] =	dma.strided @!p0 [spmem:s18@s11], $0x500, s9, $0x10   }
.Ltmp2:
0x150: {  	_ = 	snop;
	(pc) =	sbr.rel @p1 .LBB2_1-.Ltmp2, $4  }
0x151: {  	s9 =	simm.s32 @!p0 $0x5  }
0x152: {  	_ =	swait.ge @!p0 [sflag:s9], $0x500  }
0x153: {  	[sflag:s9] =	ssyncset.done @!p0 $0x0  }
0x154: {  	[sflag:s9] =	ssyncadd.s32 @!p0 $0xFFFFFB00  }
0x155: {  	_ =	sfence.sel $0x180000  }
0x156: {  	[bflag:$0x0] =	sbarrier.arrive $0xFFFF  }
0x157: {  	_ =	strace $0x90000047  }
0x158: {  	[bflag:$0x2] =	sbarrier.arrive $0xFFFF  }
0x159: {  	s0 =	rddreg [dreg:$0x5]  }
0x15a: {  	s0 =	sadd.s32 @!p0 $0x100000, s0  }
0x15b: {  	[sflag:s0] =	ssyncadd.tile.s32 @!p0 $0x1;
	_ =	shalt  }
.Lfunc_end2:
_tile_overlayer_lowered:
.L_overlay_start_2:
0x15c: {  	(tag) =	ssettag $0x2  }
0x15d: {  	s0 =	rddreg [dreg:$0x0];
	s2 =	stileid.u32  }
0x15e: {  	s1 =	rddreg [dreg:$0x1];
	p0 =	sne.s32 s2, $0x0  }
0x15f: {  	s3 =	rddreg [dreg:$0x2];
	[bflag:$0x3] =	sbarrier.arrive $0xFFFF;
	s2 =	simm.s32 @!p0 $0x1C05  }
0x160: {  	[timem:s3], [sflag:s2] =	dma.local @!p0 [hbm:s0], s1  }
0x161: {  	s0 =	simm.s32 @!p0 $0x5  }
0x162: {  	_ =	swait.ge @!p0 [sflag:s0], s1  }
0x163: {  	s1 =	ssub.s32 @!p0 $0x0, s1;
	[sflag:s0] =	ssyncset.done @!p0 $0x0  }
0x164: {  	[sflag:s0] =	ssyncadd.s32 @!p0 s1  }
0x165: {  	[bflag:$0x3] =	sbarrier.arrive $0xFFFF  }
0x166: {  	_ =	shalt  }

</sc_bundles>
